<compile_context>
chip_gen: v7x
topology: tpu7x:2x2x1
jax: 0.10.2.dev20260603
libtpu: 0.0.44.dev20260713+nightly
codegen_flags: <defaults>
</compile_context>

<pallas_src>
import functools

import jax
import jax.numpy as jnp
from jax import lax
from jax.experimental import pallas as pl
from jax.experimental.pallas import tpu as pltpu
from jax.experimental.pallas import tpu_sc as plsc

N_NODES = 50000
D = 128
N_SEG = 8192
L = 131072

_BLK = 512
_GRID = (N_NODES + _BLK - 1) // _BLK


def _tc_body(hs_ref, hf_ref, Whs_ref, bhs_ref, Whf_ref, bhf_ref,
             wphs_ref, wphf_ref, tfhs_ref, tfhf_ref, zhs_ref, zhf_ref,
             ehs_ref, ehf_ref):
    def one(x_ref, W_ref, b_ref, wp_ref, tf_ref, z_ref, e_ref):
        x = x_ref[...]
        t = x + jnp.maximum(x @ W_ref[...] + b_ref[...], 0.0)
        tf_ref[...] = t
        e = jnp.exp(t @ wp_ref[...])
        z_ref[...] = t * e
        e_ref[...] = e

    one(hs_ref, Whs_ref, bhs_ref, wphs_ref, tfhs_ref, zhs_ref, ehs_ref)
    one(hf_ref, Whf_ref, bhf_ref, wphf_ref, tfhf_ref, zhf_ref, ehf_ref)


def _tc_stage(hs, hf, W_hs, b_hs, W_hf, b_hf, wp_hs, wp_hf):
    row_spec = pl.BlockSpec((_BLK, D), lambda i: (i, 0))
    col_spec = pl.BlockSpec((_BLK, 1), lambda i: (i, 0))
    full = lambda shape: pl.BlockSpec(shape, lambda i: (0, 0))
    return pl.pallas_call(
        _tc_body,
        grid=(_GRID,),
        in_specs=[row_spec, row_spec,
                  full((D, D)), full((1, D)), full((D, D)), full((1, D)),
                  full((D, 1)), full((D, 1))],
        out_specs=[row_spec, row_spec, row_spec, row_spec,
                   col_spec, col_spec],
        out_shape=[jax.ShapeDtypeStruct((N_NODES, D), jnp.float32),
                   jax.ShapeDtypeStruct((N_NODES, D), jnp.float32),
                   jax.ShapeDtypeStruct((N_NODES, D), jnp.float32),
                   jax.ShapeDtypeStruct((N_NODES, D), jnp.float32),
                   jax.ShapeDtypeStruct((N_NODES, 1), jnp.float32),
                   jax.ShapeDtypeStruct((N_NODES, 1), jnp.float32)],
    )(hs, hf, W_hs, b_hs, W_hf, b_hf, wp_hs, wp_hf)


_NS = 16
_CHUNK = 128
_EPT = L // _NS
_NCHUNK = _EPT // _CHUNK
_SPT = N_SEG // _NS
_DIVQ = 16
_NDIVQ = _SPT // _DIVQ
_NBUF = 2
_DEN = 16 * 528


def _sc_body(zhs_hbm, zhf_hbm, ehs_hbm, ehf_hbm, idx_hbm, seg_hbm,
             hophs_hbm, hophf_hbm,
             idx2d_v, seg2d_v, row_bufs, e_bufs, z1d_v, den_v, outq_v,
             acc_sh, den_sh, e_sh, g_sems, eg_sems, s_sems, es_sems):
    cid = lax.axis_index("c")
    args = (idx2d_v, seg2d_v, row_bufs, e_bufs, z1d_v, den_v, outq_v,
            acc_sh, den_sh, e_sh, g_sems, eg_sems, s_sems, es_sems)

    @pl.when(cid == 0)
    def _():
        _sc_process(zhs_hbm, ehs_hbm, idx_hbm, seg_hbm, hophs_hbm, *args)

    @pl.when(cid == 1)
    def _():
        _sc_process(zhf_hbm, ehf_hbm, idx_hbm, seg_hbm, hophf_hbm, *args)


def _sc_process(tbl_hbm, e_hbm, idx_hbm, seg_hbm, hop_hbm,
                idx2d_v, seg2d_v, row_bufs, e_bufs, z1d_v, den_v, outq_v,
                acc_sh, den_sh, e_sh, g_sems, eg_sems, s_sems, es_sems):
    sid = lax.axis_index("s")
    z16 = jnp.zeros((16,), jnp.float32)

    pltpu.sync_copy(idx_hbm.at[pl.ds(sid * _NCHUNK, _NCHUNK)], idx2d_v)
    pltpu.sync_copy(seg_hbm.at[pl.ds(sid * _NCHUNK, _NCHUNK)], seg2d_v)

    @pl.when(sid == 0)
    def _():
        pltpu.sync_copy(e_hbm, e_sh)

    rows0 = row_bufs[0]
    def zrow(i, _):
        r = i // (D // 16)
        k = i % (D // 16)
        rows0[r, pl.ds(k * 16, 16)] = z16
        return 0
    lax.fori_loop(0, _CHUNK * (D // 16), zrow, 0)
    def zd(i, _):
        z1d_v[pl.ds(i * 16, 16)] = z16
        return 0
    lax.fori_loop(0, (_DEN // _NS) // 16, zd, 0)
    def zstripe(q, _):
        pltpu.sync_copy(rows0, acc_sh.at[pl.ds((sid * (_SPT // _CHUNK) + q) * _CHUNK, _CHUNK)])
        return 0
    lax.fori_loop(0, _SPT // _CHUNK, zstripe, 0)
    pltpu.sync_copy(z1d_v, den_sh.at[pl.ds(sid * (_DEN // _NS), _DEN // _NS)])
    plsc.subcore_barrier()

    def gathers(j, b):
        pltpu.async_copy(tbl_hbm.at[idx2d_v.at[j]], row_bufs[b], g_sems[b])
        pltpu.async_copy(e_sh.at[idx2d_v.at[j]], e_bufs[b], eg_sems[b])

    def wait_gathers(j, b):
        pltpu.make_async_copy(tbl_hbm.at[idx2d_v.at[j]], row_bufs[b],
                              g_sems[b]).wait()
        pltpu.make_async_copy(e_sh.at[idx2d_v.at[j]], e_bufs[b],
                              eg_sems[b]).wait()

    def scatters(j, b):
        pltpu.async_copy(row_bufs[b], acc_sh.at[seg2d_v.at[j]], s_sems[b],
                         add=True)
        pltpu.async_copy(e_bufs[b], den_sh.at[seg2d_v.at[j]], es_sems[b],
                         add=True)

    def wait_scatters(j, b):
        pltpu.make_async_copy(row_bufs[b], acc_sh.at[seg2d_v.at[j]],
                              s_sems[b]).wait()
        pltpu.make_async_copy(e_bufs[b], den_sh.at[seg2d_v.at[j]],
                              es_sems[b]).wait()

    gathers(0, 0)

    def step(g2, _):
        for b in range(_NBUF):
            j = g2 * _NBUF + b
            wait_gathers(j, b)
            scatters(j, b)
            if b == 0:
                @pl.when(g2 > 0)
                def _():
                    wait_scatters(j - 1, 1 - b)
            else:
                wait_scatters(j - 1, 1 - b)
            @pl.when(j + 1 < _NCHUNK)
            def _():
                gathers(j + 1, 1 - b)
        return 0
    lax.fori_loop(0, _NCHUNK // _NBUF, step, 0)
    wait_scatters(_NCHUNK - 1, 1)
    plsc.subcore_barrier()

    pltpu.sync_copy(den_sh.at[pl.ds(sid * _SPT, _SPT)], den_v.at[pl.ds(0, _SPT)])
    def divq(q, _):
        seg0 = sid * _SPT + q * _DIVQ
        pltpu.sync_copy(acc_sh.at[pl.ds(seg0, _DIVQ)], rows0.at[pl.ds(0, _DIVQ)])
        def seg_body(r, _):
            d0 = den_v[pl.ds(q * _DIVQ + r, 16)][0]
            den16 = z16 + (d0 + 1e-30)
            def col(k, _):
                outq_v[r, pl.ds(k * 16, 16)] = rows0[r, pl.ds(k * 16, 16)] / den16
                return 0
            lax.fori_loop(0, D // 16, col, 0)
            return 0
        lax.fori_loop(0, _DIVQ, seg_body, 0)
        pltpu.sync_copy(outq_v, hop_hbm.at[pl.ds(seg0, _DIVQ)])
        return 0
    lax.fori_loop(0, _NDIVQ, divq, 0)


@functools.cache
def _sc_stage():
    return pl.kernel(
        _sc_body,
        out_type=[jax.ShapeDtypeStruct((N_SEG, D), jnp.float32),
                  jax.ShapeDtypeStruct((N_SEG, D), jnp.float32)],
        mesh=plsc.VectorSubcoreMesh(core_axis_name="c", subcore_axis_name="s"),
        scratch_types=[
            pltpu.VMEM((_NCHUNK, _CHUNK), jnp.int32),
            pltpu.VMEM((_NCHUNK, _CHUNK), jnp.int32),
            [pltpu.VMEM((_CHUNK, D), jnp.float32) for _ in range(_NBUF)],
            [pltpu.VMEM((_CHUNK,), jnp.float32) for _ in range(_NBUF)],
            pltpu.VMEM((_DEN // _NS,), jnp.float32),
            pltpu.VMEM((_DEN // _NS,), jnp.float32),
            pltpu.VMEM((_DIVQ, D), jnp.float32),
            pltpu.VMEM_SHARED((N_SEG, D), jnp.float32),
            pltpu.VMEM_SHARED((_DEN,), jnp.float32),
            pltpu.VMEM_SHARED((N_NODES,), jnp.float32),
            [pltpu.SemaphoreType.DMA for _ in range(_NBUF)],
            [pltpu.SemaphoreType.DMA for _ in range(_NBUF)],
            [pltpu.SemaphoreType.DMA for _ in range(_NBUF)],
            [pltpu.SemaphoreType.DMA for _ in range(_NBUF)],
        ],
        compiler_params=pltpu.CompilerParams(use_tc_tiling_on_sc=False),
    )


def kernel(hs, hf, flat_idx, segment_ids, W_hs, b_hs, W_hf, b_hf,
           w_pool_hs, w_pool_hf):
    idx = flat_idx.astype(jnp.int32)
    seg = segment_ids.astype(jnp.int32)
    tf_hs, tf_hf, z_hs, z_hf, e_hs, e_hf = _tc_stage(
        hs, hf, W_hs, b_hs.reshape(1, D), W_hf, b_hf.reshape(1, D),
        w_pool_hs.reshape(D, 1), w_pool_hf.reshape(D, 1))
    idx2d = idx.reshape(L // _CHUNK, _CHUNK)
    seg2d = seg.reshape(L // _CHUNK, _CHUNK)
    hop_hs, hop_hf = _sc_stage()(z_hs, z_hf, e_hs.reshape(N_NODES),
                                 e_hf.reshape(N_NODES), idx2d, seg2d)
    return tf_hs, tf_hf, hop_hs, hop_hf

# --- scband reference (transcript-rebuilt; emitter-appended) ---
"""Pipeline reference for scband-deep-gate3-20547123544544 (READ-ONLY COPY).

The authoritative reference and input builder live on the scoring server;
editing this copy changes nothing except your own understanding.
"""

import jax, jax.numpy as jnp
import numpy as np

N_NODES = 50000
D = 128
N_SEG = 8192
L = 131072


def setup_inputs(seed: int = 0) -> dict:
    key = jax.random.key(seed)
    ks = jax.random.split(key, 10)
    hs = jax.random.normal(ks[0], (N_NODES, D), dtype=jnp.float32)
    hf = jax.random.normal(ks[1], (N_NODES, D), dtype=jnp.float32)
    flat_idx = jax.random.randint(ks[2], (L,), 0, N_NODES, dtype=jnp.int64)
    segment_ids = jnp.sort(jax.random.randint(ks[3], (L,), 0, N_SEG, dtype=jnp.int64))
    # learned parameters (transformer stand-in + attention pooling heads)
    W_hs = jax.random.normal(ks[4], (D, D), dtype=jnp.float32) * 0.05
    b_hs = jnp.zeros((D,), dtype=jnp.float32)
    W_hf = jax.random.normal(ks[5], (D, D), dtype=jnp.float32) * 0.05
    b_hf = jnp.zeros((D,), dtype=jnp.float32)
    w_pool_hs = jax.random.normal(ks[6], (D,), dtype=jnp.float32) * 0.05
    w_pool_hf = jax.random.normal(ks[7], (D,), dtype=jnp.float32) * 0.05
    return {
        'hs': hs, 'hf': hf,
        'flat_idx': flat_idx, 'segment_ids': segment_ids,
        'W_hs': W_hs, 'b_hs': b_hs, 'W_hf': W_hf, 'b_hf': b_hf,
        'w_pool_hs': w_pool_hs, 'w_pool_hf': w_pool_hf,
    }


def _segment_attn_pool(tf_x, flat_idx, segment_ids, w_pool):
    # ragged gather of subgraph member embeddings (pos + pis flattened)
    g = jnp.take(tf_x, flat_idx, axis=0)                     # [L, D] gather
    scores = g @ w_pool                                      # [L]
    m = jax.ops.segment_max(scores, segment_ids, num_segments=N_SEG)
    m = jnp.where(jnp.isfinite(m), m, 0.0)
    e = jnp.exp(scores - m[segment_ids])
    denom = jax.ops.segment_sum(e, segment_ids, num_segments=N_SEG)
    attn = e / (denom[segment_ids] + 1e-9)                   # per-segment softmax
    pooled = jax.ops.segment_sum(g * attn[:, None], segment_ids, num_segments=N_SEG)
    return pooled                                            # [N_SEG, D]


def reference(hs, hf, flat_idx, segment_ids, W_hs, b_hs, W_hf, b_hf, w_pool_hs, w_pool_hf):
    # transformer refinement of per-gate structural (hs) and functional (hf) tokens
    tf_hs = hs + jax.nn.relu(hs @ W_hs + b_hs)
    tf_hf = hf + jax.nn.relu(hf @ W_hf + b_hf)
    # per-hop (subgraph) ragged attention pooling -> hop_hs / hop_hf
    hop_hs = _segment_attn_pool(tf_hs, flat_idx, segment_ids, w_pool_hs)
    hop_hf = _segment_attn_pool(tf_hf, flat_idx, segment_ids, w_pool_hf)
    return (tf_hs, tf_hf, hop_hs, hop_hf)

if __name__ == "__main__":
    import jax
    _d = setup_inputs()
    print(jax.jit(kernel)(*tuple(_d.values())))

</pallas_src>

<mosaic_0001>
#map = affine_map<(d0, d1) -> (0, 0)>
#map1 = affine_map<(d0, d1) -> (0)>
module attributes {stable_mosaic.version = 14 : i64} {
  func.func @_sc_body(%arg0: i32, %arg1: i32, %arg2: memref<50000x128xf32, #tpu.memory_space<hbm>>, %arg3: memref<50000x128xf32, #tpu.memory_space<hbm>>, %arg4: memref<50000xf32, #tpu.memory_space<hbm>>, %arg5: memref<50000xf32, #tpu.memory_space<hbm>>, %arg6: memref<1024x128xi32, #tpu.memory_space<hbm>>, %arg7: memref<1024x128xi32, #tpu.memory_space<hbm>>, %arg8: memref<8192x128xf32, #tpu.memory_space<hbm>>, %arg9: memref<8192x128xf32, #tpu.memory_space<hbm>>, %arg10: memref<64x128xi32, #tpu.memory_space<vmem>>, %arg11: memref<64x128xi32, #tpu.memory_space<vmem>>, %arg12: memref<128x128xf32, #tpu.memory_space<vmem>>, %arg13: memref<128x128xf32, #tpu.memory_space<vmem>>, %arg14: memref<128xf32, #tpu.memory_space<vmem>>, %arg15: memref<128xf32, #tpu.memory_space<vmem>>, %arg16: memref<528xf32, #tpu.memory_space<vmem>>, %arg17: memref<528xf32, #tpu.memory_space<vmem>>, %arg18: memref<16x128xf32, #tpu.memory_space<vmem>>, %arg19: memref<8192x128xf32, #tpu.memory_space<vmem_shared>>, %arg20: memref<8448xf32, #tpu.memory_space<vmem_shared>>, %arg21: memref<50000xf32, #tpu.memory_space<vmem_shared>>, %arg22: memref<!tpu.dma_semaphore, #tpu.memory_space<semaphore_mem>>, %arg23: memref<!tpu.dma_semaphore, #tpu.memory_space<semaphore_mem>>, %arg24: memref<!tpu.dma_semaphore, #tpu.memory_space<semaphore_mem>>, %arg25: memref<!tpu.dma_semaphore, #tpu.memory_space<semaphore_mem>>, %arg26: memref<!tpu.dma_semaphore, #tpu.memory_space<semaphore_mem>>, %arg27: memref<!tpu.dma_semaphore, #tpu.memory_space<semaphore_mem>>, %arg28: memref<!tpu.dma_semaphore, #tpu.memory_space<semaphore_mem>>, %arg29: memref<!tpu.dma_semaphore, #tpu.memory_space<semaphore_mem>>) attributes {dimension_semantics = [#tpu.dimension_semantics<core_parallel>, #tpu.dimension_semantics<subcore_parallel>], iteration_bounds = array<i64: 2, 16>, scalar_prefetch = 0 : i64, scratch_operands = 20 : i64, tpu.core_type = #tpu.core_type<sc_vector_subcore>, window_params = [{transform_indices = #map}, {transform_indices = #map}, {transform_indices = #map1}, {transform_indices = #map1}, {transform_indices = #map}, {transform_indices = #map}, {transform_indices = #map}, {transform_indices = #map}]} {
    %eq3A = arith.constant 0 : i32
    %eq3A_0 = arith.cmpi eq, %arg0, %eq3A : i32
    %convert_element_type3A = arith.extui %eq3A_0 : i1 to i32
    %cond3A = arith.constant 0 : i32
    %cond3A_1 = arith.cmpi ne, %convert_element_type3A, %cond3A : i32
    scf.if %cond3A_1 {
      %broadcast_in_dim3A = arith.constant 0.000000e+00 : f32
      %broadcast_in_dim3A_7 = vector.broadcast %broadcast_in_dim3A : f32 to vector<16xf32>
      %mul3A = arith.constant 64 : i32
      %mul3A_8 = arith.muli %arg1, %mul3A : i32
      "tpu.region"() ({
        %run_scoped3A = tpu.sem_alloc : memref<!tpu.dma_semaphore, #tpu.memory_space<semaphore_mem>>
        %dma_start3A_79 = arith.constant 0 : i32
        %dma_start3A_80 = tpu.memref_slice %arg6[%mul3A_8, %dma_start3A_79] : memref<1024x128xi32, #tpu.memory_space<hbm>> -> memref<64x128xi32, #tpu.memory_space<hbm>>
        %dma_start3A_81 = arith.constant 0 : i32
        %dma_start3A_82 = tpu.memref_slice %arg6[%mul3A_8, %dma_start3A_81] : memref<1024x128xi32, #tpu.memory_space<hbm>> -> memref<64x128xi32, #tpu.memory_space<hbm>>
        tpu.enqueue_dma source(%dma_start3A_82 : memref<64x128xi32, #tpu.memory_space<hbm>>) target(%arg10 : memref<64x128xi32, #tpu.memory_space<vmem>>) target_semaphore(%run_scoped3A : memref<!tpu.dma_semaphore, #tpu.memory_space<semaphore_mem>>)
        %dma_wait3A_83 = arith.constant 0 : i32
        %dma_wait3A_84 = tpu.memref_slice %arg6[%mul3A_8, %dma_wait3A_83] : memref<1024x128xi32, #tpu.memory_space<hbm>> -> memref<64x128xi32, #tpu.memory_space<hbm>>
        %dma_wait3A_85 = arith.constant 0 : i32
        %dma_wait3A_86 = tpu.memref_slice %arg6[%mul3A_8, %dma_wait3A_85] : memref<1024x128xi32, #tpu.memory_space<hbm>> -> memref<64x128xi32, #tpu.memory_space<hbm>>
        tpu.wait_dma2 semaphore(%run_scoped3A : memref<!tpu.dma_semaphore, #tpu.memory_space<semaphore_mem>>) src(%dma_wait3A_86 : memref<64x128xi32, #tpu.memory_space<hbm>>) dst(%arg10 : memref<64x128xi32, #tpu.memory_space<vmem>>)
        tpu.yield
      }) : () -> ()
      %mul3A_9 = arith.constant 64 : i32
      %mul3A_10 = arith.muli %arg1, %mul3A_9 : i32
      "tpu.region"() ({
        %run_scoped3A = tpu.sem_alloc : memref<!tpu.dma_semaphore, #tpu.memory_space<semaphore_mem>>
        %dma_start3A_79 = arith.constant 0 : i32
        %dma_start3A_80 = tpu.memref_slice %arg7[%mul3A_10, %dma_start3A_79] : memref<1024x128xi32, #tpu.memory_space<hbm>> -> memref<64x128xi32, #tpu.memory_space<hbm>>
        %dma_start3A_81 = arith.constant 0 : i32
        %dma_start3A_82 = tpu.memref_slice %arg7[%mul3A_10, %dma_start3A_81] : memref<1024x128xi32, #tpu.memory_space<hbm>> -> memref<64x128xi32, #tpu.memory_space<hbm>>
        tpu.enqueue_dma source(%dma_start3A_82 : memref<64x128xi32, #tpu.memory_space<hbm>>) target(%arg11 : memref<64x128xi32, #tpu.memory_space<vmem>>) target_semaphore(%run_scoped3A : memref<!tpu.dma_semaphore, #tpu.memory_space<semaphore_mem>>)
        %dma_wait3A_83 = arith.constant 0 : i32
        %dma_wait3A_84 = tpu.memref_slice %arg7[%mul3A_10, %dma_wait3A_83] : memref<1024x128xi32, #tpu.memory_space<hbm>> -> memref<64x128xi32, #tpu.memory_space<hbm>>
        %dma_wait3A_85 = arith.constant 0 : i32
        %dma_wait3A_86 = tpu.memref_slice %arg7[%mul3A_10, %dma_wait3A_85] : memref<1024x128xi32, #tpu.memory_space<hbm>> -> memref<64x128xi32, #tpu.memory_space<hbm>>
        tpu.wait_dma2 semaphore(%run_scoped3A : memref<!tpu.dma_semaphore, #tpu.memory_space<semaphore_mem>>) src(%dma_wait3A_86 : memref<64x128xi32, #tpu.memory_space<hbm>>) dst(%arg11 : memref<64x128xi32, #tpu.memory_space<vmem>>)
        tpu.yield
      }) : () -> ()
      %eq3A_11 = arith.constant 0 : i32
      %eq3A_12 = arith.cmpi eq, %arg1, %eq3A_11 : i32
      %convert_element_type3A_13 = arith.extui %eq3A_12 : i1 to i32
      %cond3A_14 = arith.constant 0 : i32
      %cond3A_15 = arith.cmpi ne, %convert_element_type3A_13, %cond3A_14 : i32
      scf.if %cond3A_15 {
        "tpu.region"() ({
          %run_scoped3A = tpu.sem_alloc : memref<!tpu.dma_semaphore, #tpu.memory_space<semaphore_mem>>
          tpu.enqueue_dma source(%arg4 : memref<50000xf32, #tpu.memory_space<hbm>>) target(%arg21 : memref<50000xf32, #tpu.memory_space<vmem_shared>>) target_semaphore(%run_scoped3A : memref<!tpu.dma_semaphore, #tpu.memory_space<semaphore_mem>>)
          tpu.wait_dma2 semaphore(%run_scoped3A : memref<!tpu.dma_semaphore, #tpu.memory_space<semaphore_mem>>) src(%arg4 : memref<50000xf32, #tpu.memory_space<hbm>>) dst(%arg21 : memref<50000xf32, #tpu.memory_space<vmem_shared>>)
          tpu.yield
        }) : () -> ()
      } else {
      }
      %scan3A = arith.constant 0 : i32
      %scan3A_16 = arith.constant 0 : i32
      %scan3A_17 = arith.constant 1024 : i32
      %scan3A_18 = arith.addi %scan3A_16, %scan3A_17 : i32
      %scan3A_19 = arith.constant 1 : i32
      %scan3A_20 = scf.for %scan3A_79 = %scan3A_16 to %scan3A_18 step %scan3A_19 iter_args(%scan3A_80 = %scan3A) -> (i32)  : i32 {
        %jit3A = arith.constant 8 : i32
        %div3A = arith.divsi %scan3A_79, %jit3A : i32
        %sign3A = arith.constant 0 : i32
        %sign3A_81 = arith.cmpi sgt, %scan3A_79, %sign3A : i32
        %sign3A_82 = arith.extui %sign3A_81 : i1 to i32
        %sign3A_83 = arith.constant 0 : i32
        %sign3A_84 = arith.cmpi slt, %scan3A_79, %sign3A_83 : i32
        %sign3A_85 = arith.extui %sign3A_84 : i1 to i32
        %sign3A_86 = arith.subi %sign3A_82, %sign3A_85 : i32
        %sign3A_87 = arith.constant 0 : i32
        %sign3A_88 = arith.cmpi sgt, %jit3A, %sign3A_87 : i32
        %sign3A_89 = arith.extui %sign3A_88 : i1 to i32
        %sign3A_90 = arith.constant 0 : i32
        %sign3A_91 = arith.cmpi slt, %jit3A, %sign3A_90 : i32
        %sign3A_92 = arith.extui %sign3A_91 : i1 to i32
        %sign3A_93 = arith.subi %sign3A_89, %sign3A_92 : i32
        %ne3A = arith.cmpi ne, %sign3A_86, %sign3A_93 : i32
        %rem3A = arith.remsi %scan3A_79, %jit3A : i32
        %ne3A_94 = arith.constant 0 : i32
        %ne3A_95 = arith.cmpi ne, %rem3A, %ne3A_94 : i32
        %and3A = arith.andi %ne3A, %ne3A_95 : i1
        %sub3A = arith.constant 1 : i32
        %sub3A_96 = arith.subi %div3A, %sub3A : i32
        %select_n3A = arith.select %and3A, %sub3A_96, %div3A : i32
        %jit3A_97 = arith.constant 8 : i32
        %eq3A_98 = arith.constant 0 : i32
        %eq3A_99 = arith.cmpi eq, %jit3A_97, %eq3A_98 : i32
        %jit3A_100 = arith.constant 1 : i32
        %select_n3A_101 = arith.select %eq3A_99, %jit3A_100, %jit3A_97 : i32
        %rem3A_102 = arith.remsi %scan3A_79, %select_n3A_101 : i32
        %ne3A_103 = arith.constant 0 : i32
        %ne3A_104 = arith.cmpi ne, %rem3A_102, %ne3A_103 : i32
        %lt3A = arith.constant 0 : i32
        %lt3A_105 = arith.cmpi slt, %rem3A_102, %lt3A : i32
        %lt3A_106 = arith.constant 0 : i32
        %lt3A_107 = arith.cmpi slt, %select_n3A_101, %lt3A_106 : i32
        %ne3A_108 = arith.xori %lt3A_105, %lt3A_107 : i1
        %and3A_109 = arith.andi %ne3A_108, %ne3A_104 : i1
        %add3A = arith.addi %rem3A_102, %select_n3A_101 : i32
        %select_n3A_110 = arith.select %and3A_109, %add3A, %rem3A_102 : i32
        %mul3A_111 = arith.constant 16 : i32
        %mul3A_112 = arith.muli %select_n3A_110, %mul3A_111 : i32
        %swap3A = arith.index_cast %select_n3A : i32 to index
        %swap3A_113 = arith.index_cast %mul3A_112 : i32 to index
        %swap3A_114 = tpu.vector_load %arg12[%swap3A, %swap3A_113] {strides = array<i32>} : memref<128x128xf32, #tpu.memory_space<vmem>>, vector<1x16xf32>,
        %swap3A_115 = vector.shape_cast %swap3A_114 : vector<1x16xf32> to vector<16xf32>
        %swap3A_116 = vector.shape_cast %broadcast_in_dim3A_7 : vector<16xf32> to vector<1x16xf32>
        tpu.vector_store %arg12[%swap3A, %swap3A_113], %swap3A_116 {strides = array<i32>} : memref<128x128xf32, #tpu.memory_space<vmem>>, vector<1x16xf32>,
        %scan3A_117 = arith.constant 0 : i32
        scf.yield %scan3A_117 : i32
      }
      %scan3A_21 = arith.constant 1024 : i32
      %scan3A_22 = arith.constant 0 : i32
      %scan3A_23 = arith.constant 0 : i32
      %scan3A_24 = arith.constant 33 : i32
      %scan3A_25 = arith.addi %scan3A_23, %scan3A_24 : i32
      %scan3A_26 = arith.constant 1 : i32
      %scan3A_27 = scf.for %scan3A_79 = %scan3A_23 to %scan3A_25 step %scan3A_26 iter_args(%scan3A_80 = %scan3A_22) -> (i32)  : i32 {
        %mul3A_81 = arith.constant 16 : i32
        %mul3A_82 = arith.muli %scan3A_79, %mul3A_81 : i32
        %swap3A = arith.index_cast %mul3A_82 : i32 to index
        %swap3A_83 = tpu.vector_load %arg16[%swap3A] {strides = array<i32>} : memref<528xf32, #tpu.memory_space<vmem>>, vector<16xf32>,
        %swap3A_84 = vector.shape_cast %swap3A_83 : vector<16xf32> to vector<16xf32>
        %swap3A_85 = vector.shape_cast %broadcast_in_dim3A_7 : vector<16xf32> to vector<16xf32>
        tpu.vector_store %arg16[%swap3A], %swap3A_85 {strides = array<i32>} : memref<528xf32, #tpu.memory_space<vmem>>, vector<16xf32>,
        %scan3A_86 = arith.constant 0 : i32
        scf.yield %scan3A_86 : i32
      }
      %scan3A_28 = arith.constant 33 : i32
      %scan3A_29 = arith.constant 0 : i32
      %scan3A_30 = arith.constant 0 : i32
      %scan3A_31 = arith.constant 4 : i32
      %scan3A_32 = arith.addi %scan3A_30, %scan3A_31 : i32
      %scan3A_33 = arith.constant 1 : i32
      %scan3A_34 = scf.for %scan3A_79 = %scan3A_30 to %scan3A_32 step %scan3A_33 iter_args(%scan3A_80 = %scan3A_29) -> (i32)  : i32 {
        %mul3A_81 = arith.constant 4 : i32
        %mul3A_82 = arith.muli %arg1, %mul3A_81 : i32
        %add3A = arith.addi %mul3A_82, %scan3A_79 : i32
        %mul3A_83 = arith.constant 128 : i32
        %mul3A_84 = arith.muli %add3A, %mul3A_83 : i32
        "tpu.region"() ({
          %run_scoped3A = tpu.sem_alloc : memref<!tpu.dma_semaphore, #tpu.memory_space<semaphore_mem>>
          %dma_start3A_86 = arith.constant 0 : i32
          %dma_start3A_87 = tpu.memref_slice %arg19[%mul3A_84, %dma_start3A_86] : memref<8192x128xf32, #tpu.memory_space<vmem_shared>> -> memref<128x128xf32, #tpu.memory_space<vmem_shared>>
          %dma_start3A_88 = arith.constant 0 : i32
          %dma_start3A_89 = tpu.memref_slice %arg19[%mul3A_84, %dma_start3A_88] : memref<8192x128xf32, #tpu.memory_space<vmem_shared>> -> memref<128x128xf32, #tpu.memory_space<vmem_shared>>
          tpu.enqueue_dma source(%arg12 : memref<128x128xf32, #tpu.memory_space<vmem>>) target(%dma_start3A_89 : memref<128x128xf32, #tpu.memory_space<vmem_shared>>) target_semaphore(%run_scoped3A : memref<!tpu.dma_semaphore, #tpu.memory_space<semaphore_mem>>)
          %dma_wait3A_90 = arith.constant 0 : i32
          %dma_wait3A_91 = tpu.memref_slice %arg19[%mul3A_84, %dma_wait3A_90] : memref<8192x128xf32, #tpu.memory_space<vmem_shared>> -> memref<128x128xf32, #tpu.memory_space<vmem_shared>>
          %dma_wait3A_92 = arith.constant 0 : i32
          %dma_wait3A_93 = tpu.memref_slice %arg19[%mul3A_84, %dma_wait3A_92] : memref<8192x128xf32, #tpu.memory_space<vmem_shared>> -> memref<128x128xf32, #tpu.memory_space<vmem_shared>>
          tpu.wait_dma2 semaphore(%run_scoped3A : memref<!tpu.dma_semaphore, #tpu.memory_space<semaphore_mem>>) src(%arg12 : memref<128x128xf32, #tpu.memory_space<vmem>>) dst(%dma_wait3A_93 : memref<128x128xf32, #tpu.memory_space<vmem_shared>>)
          tpu.yield
        }) : () -> ()
        %scan3A_85 = arith.constant 0 : i32
        scf.yield %scan3A_85 : i32
      }
      %scan3A_35 = arith.constant 4 : i32
      %mul3A_36 = arith.constant 528 : i32
      %mul3A_37 = arith.muli %arg1, %mul3A_36 : i32
      "tpu.region"() ({
        %run_scoped3A = tpu.sem_alloc : memref<!tpu.dma_semaphore, #tpu.memory_space<semaphore_mem>>
        %dma_start3A_79 = tpu.memref_slice %arg20[%mul3A_37] : memref<8448xf32, #tpu.memory_space<vmem_shared>> -> memref<528xf32, #tpu.memory_space<vmem_shared>>
        %dma_start3A_80 = tpu.memref_slice %arg20[%mul3A_37] : memref<8448xf32, #tpu.memory_space<vmem_shared>> -> memref<528xf32, #tpu.memory_space<vmem_shared>>
        tpu.enqueue_dma source(%arg16 : memref<528xf32, #tpu.memory_space<vmem>>) target(%dma_start3A_80 : memref<528xf32, #tpu.memory_space<vmem_shared>>) target_semaphore(%run_scoped3A : memref<!tpu.dma_semaphore, #tpu.memory_space<semaphore_mem>>)
        %dma_wait3A_81 = tpu.memref_slice %arg20[%mul3A_37] : memref<8448xf32, #tpu.memory_space<vmem_shared>> -> memref<528xf32, #tpu.memory_space<vmem_shared>>
        %dma_wait3A_82 = tpu.memref_slice %arg20[%mul3A_37] : memref<8448xf32, #tpu.memory_space<vmem_shared>> -> memref<528xf32, #tpu.memory_space<vmem_shared>>
        tpu.wait_dma2 semaphore(%run_scoped3A : memref<!tpu.dma_semaphore, #tpu.memory_space<semaphore_mem>>) src(%arg16 : memref<528xf32, #tpu.memory_space<vmem>>) dst(%dma_wait3A_82 : memref<528xf32, #tpu.memory_space<vmem_shared>>)
        tpu.yield
      }) : () -> ()
      %barrier3A = arith.constant 0 : index
      tpu.barrier barrier_id(%barrier3A)
      %dma_start3A = arith.constant 0 : i32
      %dma_start3A_38 = arith.constant 0 : i32
      %dma_start3A_39 = tpu.memref_slice %arg10[%dma_start3A, %dma_start3A_38] : memref<64x128xi32, #tpu.memory_space<vmem>> -> memref<1x128xi32, #tpu.memory_space<vmem>>
      %dma_start3A_40 = tpu.memref_squeeze %dma_start3A_39 : memref<1x128xi32, #tpu.memory_space<vmem>> -> memref<128xi32, #tpu.memory_space<vmem>>
      %dma_start3A_41 = arith.constant 0 : i32
      %dma_start3A_42 = arith.constant 0 : i32
      %dma_start3A_43 = tpu.memref_slice %arg2[%dma_start3A_41, %dma_start3A_42] : memref<50000x128xf32, #tpu.memory_space<hbm>> -> memref<50000x128xf32, #tpu.memory_space<hbm>>
      tpu.enqueue_indirect_dma source(%dma_start3A_43 : memref<50000x128xf32, #tpu.memory_space<hbm>>) target(%arg12 : memref<128x128xf32, #tpu.memory_space<vmem>>) offsets(%dma_start3A_40 : memref<128xi32, #tpu.memory_space<vmem>>) semaphore(%arg22 : memref<!tpu.dma_semaphore, #tpu.memory_space<semaphore_mem>>)
      %dma_start3A_44 = arith.constant 0 : i32
      %dma_start3A_45 = arith.constant 0 : i32
      %dma_start3A_46 = tpu.memref_slice %arg10[%dma_start3A_44, %dma_start3A_45] : memref<64x128xi32, #tpu.memory_space<vmem>> -> memref<1x128xi32, #tpu.memory_space<vmem>>
      %dma_start3A_47 = tpu.memref_squeeze %dma_start3A_46 : memref<1x128xi32, #tpu.memory_space<vmem>> -> memref<128xi32, #tpu.memory_space<vmem>>
      %dma_start3A_48 = arith.constant 0 : i32
      %dma_start3A_49 = tpu.memref_slice %arg21[%dma_start3A_48] : memref<50000xf32, #tpu.memory_space<vmem_shared>> -> memref<50000xf32, #tpu.memory_space<vmem_shared>>
      tpu.enqueue_indirect_dma source(%dma_start3A_49 : memref<50000xf32, #tpu.memory_space<vmem_shared>>) target(%arg14 : memref<128xf32, #tpu.memory_space<vmem>>) offsets(%dma_start3A_47 : memref<128xi32, #tpu.memory_space<vmem>>) semaphore(%arg24 : memref<!tpu.dma_semaphore, #tpu.memory_space<semaphore_mem>>)
      %scan3A_50 = arith.constant 0 : i32
      %scan3A_51 = arith.constant 0 : i32
      %scan3A_52 = arith.constant 32 : i32
      %scan3A_53 = arith.addi %scan3A_51, %scan3A_52 : i32
      %scan3A_54 = arith.constant 1 : i32
      %scan3A_55 = scf.for %scan3A_79 = %scan3A_51 to %scan3A_53 step %scan3A_54 iter_args(%scan3A_80 = %scan3A_50) -> (i32)  : i32 {
        %mul3A_81 = arith.constant 2 : i32
        %mul3A_82 = arith.muli %scan3A_79, %mul3A_81 : i32
        %add3A = arith.constant 0 : i32
        %add3A_83 = arith.addi %mul3A_82, %add3A : i32
        %dma_wait3A_84 = arith.constant 0 : i32
        %dma_wait3A_85 = tpu.memref_slice %arg10[%add3A_83, %dma_wait3A_84] : memref<64x128xi32, #tpu.memory_space<vmem>> -> memref<1x128xi32, #tpu.memory_space<vmem>>
        %dma_wait3A_86 = tpu.memref_squeeze %dma_wait3A_85 : memref<1x128xi32, #tpu.memory_space<vmem>> -> memref<128xi32, #tpu.memory_space<vmem>>
        %dma_wait3A_87 = arith.constant 0 : i32
        %dma_wait3A_88 = arith.constant 0 : i32
        %dma_wait3A_89 = tpu.memref_slice %arg2[%dma_wait3A_87, %dma_wait3A_88] : memref<50000x128xf32, #tpu.memory_space<hbm>> -> memref<50000x128xf32, #tpu.memory_space<hbm>>
        tpu.wait_indirect_dma semaphore(%arg22 : memref<!tpu.dma_semaphore, #tpu.memory_space<semaphore_mem>>) src(%dma_wait3A_89 : memref<50000x128xf32, #tpu.memory_space<hbm>>) dst(%arg12 : memref<128x128xf32, #tpu.memory_space<vmem>>)
        %dma_wait3A_90 = arith.constant 0 : i32
        %dma_wait3A_91 = tpu.memref_slice %arg10[%add3A_83, %dma_wait3A_90] : memref<64x128xi32, #tpu.memory_space<vmem>> -> memref<1x128xi32, #tpu.memory_space<vmem>>
        %dma_wait3A_92 = tpu.memref_squeeze %dma_wait3A_91 : memref<1x128xi32, #tpu.memory_space<vmem>> -> memref<128xi32, #tpu.memory_space<vmem>>
        %dma_wait3A_93 = arith.constant 0 : i32
        %dma_wait3A_94 = tpu.memref_slice %arg21[%dma_wait3A_93] : memref<50000xf32, #tpu.memory_space<vmem_shared>> -> memref<50000xf32, #tpu.memory_space<vmem_shared>>
        tpu.wait_indirect_dma semaphore(%arg24 : memref<!tpu.dma_semaphore, #tpu.memory_space<semaphore_mem>>) src(%dma_wait3A_94 : memref<50000xf32, #tpu.memory_space<vmem_shared>>) dst(%arg14 : memref<128xf32, #tpu.memory_space<vmem>>)
        %dma_start3A_95 = arith.constant 0 : i32
        %dma_start3A_96 = tpu.memref_slice %arg11[%add3A_83, %dma_start3A_95] : memref<64x128xi32, #tpu.memory_space<vmem>> -> memref<1x128xi32, #tpu.memory_space<vmem>>
        %dma_start3A_97 = tpu.memref_squeeze %dma_start3A_96 : memref<1x128xi32, #tpu.memory_space<vmem>> -> memref<128xi32, #tpu.memory_space<vmem>>
        %dma_start3A_98 = arith.constant 0 : i32
        %dma_start3A_99 = arith.constant 0 : i32
        %dma_start3A_100 = tpu.memref_slice %arg19[%dma_start3A_98, %dma_start3A_99] : memref<8192x128xf32, #tpu.memory_space<vmem_shared>> -> memref<8192x128xf32, #tpu.memory_space<vmem_shared>>
        tpu.enqueue_indirect_dma source(%arg12 : memref<128x128xf32, #tpu.memory_space<vmem>>) target(%dma_start3A_100 : memref<8192x128xf32, #tpu.memory_space<vmem_shared>>) offsets(%dma_start3A_97 : memref<128xi32, #tpu.memory_space<vmem>>) semaphore(%arg26 : memref<!tpu.dma_semaphore, #tpu.memory_space<semaphore_mem>>) {add = true}
        %dma_start3A_101 = arith.constant 0 : i32
        %dma_start3A_102 = tpu.memref_slice %arg11[%add3A_83, %dma_start3A_101] : memref<64x128xi32, #tpu.memory_space<vmem>> -> memref<1x128xi32, #tpu.memory_space<vmem>>
        %dma_start3A_103 = tpu.memref_squeeze %dma_start3A_102 : memref<1x128xi32, #tpu.memory_space<vmem>> -> memref<128xi32, #tpu.memory_space<vmem>>
        %dma_start3A_104 = arith.constant 0 : i32
        %dma_start3A_105 = tpu.memref_slice %arg20[%dma_start3A_104] : memref<8448xf32, #tpu.memory_space<vmem_shared>> -> memref<8448xf32, #tpu.memory_space<vmem_shared>>
        tpu.enqueue_indirect_dma source(%arg14 : memref<128xf32, #tpu.memory_space<vmem>>) target(%dma_start3A_105 : memref<8448xf32, #tpu.memory_space<vmem_shared>>) offsets(%dma_start3A_103 : memref<128xi32, #tpu.memory_space<vmem>>) semaphore(%arg28 : memref<!tpu.dma_semaphore, #tpu.memory_space<semaphore_mem>>) {add = true}
        %gt3A = arith.constant 0 : i32
        %gt3A_106 = arith.cmpi sgt, %scan3A_79, %gt3A : i32
        %convert_element_type3A_107 = arith.extui %gt3A_106 : i1 to i32
        %cond3A_108 = arith.constant 0 : i32
        %cond3A_109 = arith.cmpi ne, %convert_element_type3A_107, %cond3A_108 : i32
        scf.if %cond3A_109 {
          %sub3A_162 = arith.constant 1 : i32
          %sub3A_163 = arith.subi %add3A_83, %sub3A_162 : i32
          %dma_wait3A_164 = arith.constant 0 : i32
          %dma_wait3A_165 = tpu.memref_slice %arg11[%sub3A_163, %dma_wait3A_164] : memref<64x128xi32, #tpu.memory_space<vmem>> -> memref<1x128xi32, #tpu.memory_space<vmem>>
          %dma_wait3A_166 = tpu.memref_squeeze %dma_wait3A_165 : memref<1x128xi32, #tpu.memory_space<vmem>> -> memref<128xi32, #tpu.memory_space<vmem>>
          %dma_wait3A_167 = arith.constant 0 : i32
          %dma_wait3A_168 = arith.constant 0 : i32
          %dma_wait3A_169 = tpu.memref_slice %arg19[%dma_wait3A_167, %dma_wait3A_168] : memref<8192x128xf32, #tpu.memory_space<vmem_shared>> -> memref<8192x128xf32, #tpu.memory_space<vmem_shared>>
          tpu.wait_indirect_dma semaphore(%arg27 : memref<!tpu.dma_semaphore, #tpu.memory_space<semaphore_mem>>) src(%arg13 : memref<128x128xf32, #tpu.memory_space<vmem>>) dst(%dma_wait3A_169 : memref<8192x128xf32, #tpu.memory_space<vmem_shared>>)
          %dma_wait3A_170 = arith.constant 0 : i32
          %dma_wait3A_171 = tpu.memref_slice %arg11[%sub3A_163, %dma_wait3A_170] : memref<64x128xi32, #tpu.memory_space<vmem>> -> memref<1x128xi32, #tpu.memory_space<vmem>>
          %dma_wait3A_172 = tpu.memref_squeeze %dma_wait3A_171 : memref<1x128xi32, #tpu.memory_space<vmem>> -> memref<128xi32, #tpu.memory_space<vmem>>
          %dma_wait3A_173 = arith.constant 0 : i32
          %dma_wait3A_174 = tpu.memref_slice %arg20[%dma_wait3A_173] : memref<8448xf32, #tpu.memory_space<vmem_shared>> -> memref<8448xf32, #tpu.memory_space<vmem_shared>>
          tpu.wait_indirect_dma semaphore(%arg29 : memref<!tpu.dma_semaphore, #tpu.memory_space<semaphore_mem>>) src(%arg15 : memref<128xf32, #tpu.memory_space<vmem>>) dst(%dma_wait3A_174 : memref<8448xf32, #tpu.memory_space<vmem_shared>>)
        } else {
        }
        %add3A_110 = arith.constant 1 : i32
        %add3A_111 = arith.addi %add3A_83, %add3A_110 : i32
        %lt3A = arith.constant 64 : i32
        %lt3A_112 = arith.cmpi slt, %add3A_111, %lt3A : i32
        %convert_element_type3A_113 = arith.extui %lt3A_112 : i1 to i32
        %cond3A_114 = arith.constant 0 : i32
        %cond3A_115 = arith.cmpi ne, %convert_element_type3A_113, %cond3A_114 : i32
        scf.if %cond3A_115 {
          %add3A_162 = arith.constant 1 : i32
          %add3A_163 = arith.addi %add3A_83, %add3A_162 : i32
          %dma_start3A_164 = arith.constant 0 : i32
          %dma_start3A_165 = tpu.memref_slice %arg10[%add3A_163, %dma_start3A_164] : memref<64x128xi32, #tpu.memory_space<vmem>> -> memref<1x128xi32, #tpu.memory_space<vmem>>
          %dma_start3A_166 = tpu.memref_squeeze %dma_start3A_165 : memref<1x128xi32, #tpu.memory_space<vmem>> -> memref<128xi32, #tpu.memory_space<vmem>>
          %dma_start3A_167 = arith.constant 0 : i32
          %dma_start3A_168 = arith.constant 0 : i32
          %dma_start3A_169 = tpu.memref_slice %arg2[%dma_start3A_167, %dma_start3A_168] : memref<50000x128xf32, #tpu.memory_space<hbm>> -> memref<50000x128xf32, #tpu.memory_space<hbm>>
          tpu.enqueue_indirect_dma source(%dma_start3A_169 : memref<50000x128xf32, #tpu.memory_space<hbm>>) target(%arg13 : memref<128x128xf32, #tpu.memory_space<vmem>>) offsets(%dma_start3A_166 : memref<128xi32, #tpu.memory_space<vmem>>) semaphore(%arg23 : memref<!tpu.dma_semaphore, #tpu.memory_space<semaphore_mem>>)
          %dma_start3A_170 = arith.constant 0 : i32
          %dma_start3A_171 = tpu.memref_slice %arg10[%add3A_163, %dma_start3A_170] : memref<64x128xi32, #tpu.memory_space<vmem>> -> memref<1x128xi32, #tpu.memory_space<vmem>>
          %dma_start3A_172 = tpu.memref_squeeze %dma_start3A_171 : memref<1x128xi32, #tpu.memory_space<vmem>> -> memref<128xi32, #tpu.memory_space<vmem>>
          %dma_start3A_173 = arith.constant 0 : i32
          %dma_start3A_174 = tpu.memref_slice %arg21[%dma_start3A_173] : memref<50000xf32, #tpu.memory_space<vmem_shared>> -> memref<50000xf32, #tpu.memory_space<vmem_shared>>
          tpu.enqueue_indirect_dma source(%dma_start3A_174 : memref<50000xf32, #tpu.memory_space<vmem_shared>>) target(%arg15 : memref<128xf32, #tpu.memory_space<vmem>>) offsets(%dma_start3A_172 : memref<128xi32, #tpu.memory_space<vmem>>) semaphore(%arg25 : memref<!tpu.dma_semaphore, #tpu.memory_space<semaphore_mem>>)
        } else {
        }
        %mul3A_116 = arith.constant 2 : i32
        %mul3A_117 = arith.muli %scan3A_79, %mul3A_116 : i32
        %add3A_118 = arith.constant 1 : i32
        %add3A_119 = arith.addi %mul3A_117, %add3A_118 : i32
        %dma_wait3A_120 = arith.constant 0 : i32
        %dma_wait3A_121 = tpu.memref_slice %arg10[%add3A_119, %dma_wait3A_120] : memref<64x128xi32, #tpu.memory_space<vmem>> -> memref<1x128xi32, #tpu.memory_space<vmem>>
        %dma_wait3A_122 = tpu.memref_squeeze %dma_wait3A_121 : memref<1x128xi32, #tpu.memory_space<vmem>> -> memref<128xi32, #tpu.memory_space<vmem>>
        %dma_wait3A_123 = arith.constant 0 : i32
        %dma_wait3A_124 = arith.constant 0 : i32
        %dma_wait3A_125 = tpu.memref_slice %arg2[%dma_wait3A_123, %dma_wait3A_124] : memref<50000x128xf32, #tpu.memory_space<hbm>> -> memref<50000x128xf32, #tpu.memory_space<hbm>>
        tpu.wait_indirect_dma semaphore(%arg23 : memref<!tpu.dma_semaphore, #tpu.memory_space<semaphore_mem>>) src(%dma_wait3A_125 : memref<50000x128xf32, #tpu.memory_space<hbm>>) dst(%arg13 : memref<128x128xf32, #tpu.memory_space<vmem>>)
        %dma_wait3A_126 = arith.constant 0 : i32
        %dma_wait3A_127 = tpu.memref_slice %arg10[%add3A_119, %dma_wait3A_126] : memref<64x128xi32, #tpu.memory_space<vmem>> -> memref<1x128xi32, #tpu.memory_space<vmem>>
        %dma_wait3A_128 = tpu.memref_squeeze %dma_wait3A_127 : memref<1x128xi32, #tpu.memory_space<vmem>> -> memref<128xi32, #tpu.memory_space<vmem>>
        %dma_wait3A_129 = arith.constant 0 : i32
        %dma_wait3A_130 = tpu.memref_slice %arg21[%dma_wait3A_129] : memref<50000xf32, #tpu.memory_space<vmem_shared>> -> memref<50000xf32, #tpu.memory_space<vmem_shared>>
        tpu.wait_indirect_dma semaphore(%arg25 : memref<!tpu.dma_semaphore, #tpu.memory_space<semaphore_mem>>) src(%dma_wait3A_130 : memref<50000xf32, #tpu.memory_space<vmem_shared>>) dst(%arg15 : memref<128xf32, #tpu.memory_space<vmem>>)
        %dma_start3A_131 = arith.constant 0 : i32
        %dma_start3A_132 = tpu.memref_slice %arg11[%add3A_119, %dma_start3A_131] : memref<64x128xi32, #tpu.memory_space<vmem>> -> memref<1x128xi32, #tpu.memory_space<vmem>>
        %dma_start3A_133 = tpu.memref_squeeze %dma_start3A_132 : memref<1x128xi32, #tpu.memory_space<vmem>> -> memref<128xi32, #tpu.memory_space<vmem>>
        %dma_start3A_134 = arith.constant 0 : i32
        %dma_start3A_135 = arith.constant 0 : i32
        %dma_start3A_136 = tpu.memref_slice %arg19[%dma_start3A_134, %dma_start3A_135] : memref<8192x128xf32, #tpu.memory_space<vmem_shared>> -> memref<8192x128xf32, #tpu.memory_space<vmem_shared>>
        tpu.enqueue_indirect_dma source(%arg13 : memref<128x128xf32, #tpu.memory_space<vmem>>) target(%dma_start3A_136 : memref<8192x128xf32, #tpu.memory_space<vmem_shared>>) offsets(%dma_start3A_133 : memref<128xi32, #tpu.memory_space<vmem>>) semaphore(%arg27 : memref<!tpu.dma_semaphore, #tpu.memory_space<semaphore_mem>>) {add = true}
        %dma_start3A_137 = arith.constant 0 : i32
        %dma_start3A_138 = tpu.memref_slice %arg11[%add3A_119, %dma_start3A_137] : memref<64x128xi32, #tpu.memory_space<vmem>> -> memref<1x128xi32, #tpu.memory_space<vmem>>
        %dma_start3A_139 = tpu.memref_squeeze %dma_start3A_138 : memref<1x128xi32, #tpu.memory_space<vmem>> -> memref<128xi32, #tpu.memory_space<vmem>>
        %dma_start3A_140 = arith.constant 0 : i32
        %dma_start3A_141 = tpu.memref_slice %arg20[%dma_start3A_140] : memref<8448xf32, #tpu.memory_space<vmem_shared>> -> memref<8448xf32, #tpu.memory_space<vmem_shared>>
        tpu.enqueue_indirect_dma source(%arg15 : memref<128xf32, #tpu.memory_space<vmem>>) target(%dma_start3A_141 : memref<8448xf32, #tpu.memory_space<vmem_shared>>) offsets(%dma_start3A_139 : memref<128xi32, #tpu.memory_space<vmem>>) semaphore(%arg29 : memref<!tpu.dma_semaphore, #tpu.memory_space<semaphore_mem>>) {add = true}
        %sub3A = arith.constant 1 : i32
        %sub3A_142 = arith.subi %add3A_119, %sub3A : i32
        %dma_wait3A_143 = arith.constant 0 : i32
        %dma_wait3A_144 = tpu.memref_slice %arg11[%sub3A_142, %dma_wait3A_143] : memref<64x128xi32, #tpu.memory_space<vmem>> -> memref<1x128xi32, #tpu.memory_space<vmem>>
        %dma_wait3A_145 = tpu.memref_squeeze %dma_wait3A_144 : memref<1x128xi32, #tpu.memory_space<vmem>> -> memref<128xi32, #tpu.memory_space<vmem>>
        %dma_wait3A_146 = arith.constant 0 : i32
        %dma_wait3A_147 = arith.constant 0 : i32
        %dma_wait3A_148 = tpu.memref_slice %arg19[%dma_wait3A_146, %dma_wait3A_147] : memref<8192x128xf32, #tpu.memory_space<vmem_shared>> -> memref<8192x128xf32, #tpu.memory_space<vmem_shared>>
        tpu.wait_indirect_dma semaphore(%arg26 : memref<!tpu.dma_semaphore, #tpu.memory_space<semaphore_mem>>) src(%arg12 : memref<128x128xf32, #tpu.memory_space<vmem>>) dst(%dma_wait3A_148 : memref<8192x128xf32, #tpu.memory_space<vmem_shared>>)
        %dma_wait3A_149 = arith.constant 0 : i32
        %dma_wait3A_150 = tpu.memref_slice %arg11[%sub3A_142, %dma_wait3A_149] : memref<64x128xi32, #tpu.memory_space<vmem>> -> memref<1x128xi32, #tpu.memory_space<vmem>>
        %dma_wait3A_151 = tpu.memref_squeeze %dma_wait3A_150 : memref<1x128xi32, #tpu.memory_space<vmem>> -> memref<128xi32, #tpu.memory_space<vmem>>
        %dma_wait3A_152 = arith.constant 0 : i32
        %dma_wait3A_153 = tpu.memref_slice %arg20[%dma_wait3A_152] : memref<8448xf32, #tpu.memory_space<vmem_shared>> -> memref<8448xf32, #tpu.memory_space<vmem_shared>>
        tpu.wait_indirect_dma semaphore(%arg28 : memref<!tpu.dma_semaphore, #tpu.memory_space<semaphore_mem>>) src(%arg14 : memref<128xf32, #tpu.memory_space<vmem>>) dst(%dma_wait3A_153 : memref<8448xf32, #tpu.memory_space<vmem_shared>>)
        %add3A_154 = arith.constant 1 : i32
        %add3A_155 = arith.addi %add3A_119, %add3A_154 : i32
        %lt3A_156 = arith.constant 64 : i32
        %lt3A_157 = arith.cmpi slt, %add3A_155, %lt3A_156 : i32
        %convert_element_type3A_158 = arith.extui %lt3A_157 : i1 to i32
        %cond3A_159 = arith.constant 0 : i32
        %cond3A_160 = arith.cmpi ne, %convert_element_type3A_158, %cond3A_159 : i32
        scf.if %cond3A_160 {
          %add3A_162 = arith.constant 1 : i32
          %add3A_163 = arith.addi %add3A_119, %add3A_162 : i32
          %dma_start3A_164 = arith.constant 0 : i32
          %dma_start3A_165 = tpu.memref_slice %arg10[%add3A_163, %dma_start3A_164] : memref<64x128xi32, #tpu.memory_space<vmem>> -> memref<1x128xi32, #tpu.memory_space<vmem>>
          %dma_start3A_166 = tpu.memref_squeeze %dma_start3A_165 : memref<1x128xi32, #tpu.memory_space<vmem>> -> memref<128xi32, #tpu.memory_space<vmem>>
          %dma_start3A_167 = arith.constant 0 : i32
          %dma_start3A_168 = arith.constant 0 : i32
          %dma_start3A_169 = tpu.memref_slice %arg2[%dma_start3A_167, %dma_start3A_168] : memref<50000x128xf32, #tpu.memory_space<hbm>> -> memref<50000x128xf32, #tpu.memory_space<hbm>>
          tpu.enqueue_indirect_dma source(%dma_start3A_169 : memref<50000x128xf32, #tpu.memory_space<hbm>>) target(%arg12 : memref<128x128xf32, #tpu.memory_space<vmem>>) offsets(%dma_start3A_166 : memref<128xi32, #tpu.memory_space<vmem>>) semaphore(%arg22 : memref<!tpu.dma_semaphore, #tpu.memory_space<semaphore_mem>>)
          %dma_start3A_170 = arith.constant 0 : i32
          %dma_start3A_171 = tpu.memref_slice %arg10[%add3A_163, %dma_start3A_170] : memref<64x128xi32, #tpu.memory_space<vmem>> -> memref<1x128xi32, #tpu.memory_space<vmem>>
          %dma_start3A_172 = tpu.memref_squeeze %dma_start3A_171 : memref<1x128xi32, #tpu.memory_space<vmem>> -> memref<128xi32, #tpu.memory_space<vmem>>
          %dma_start3A_173 = arith.constant 0 : i32
          %dma_start3A_174 = tpu.memref_slice %arg21[%dma_start3A_173] : memref<50000xf32, #tpu.memory_space<vmem_shared>> -> memref<50000xf32, #tpu.memory_space<vmem_shared>>
          tpu.enqueue_indirect_dma source(%dma_start3A_174 : memref<50000xf32, #tpu.memory_space<vmem_shared>>) target(%arg14 : memref<128xf32, #tpu.memory_space<vmem>>) offsets(%dma_start3A_172 : memref<128xi32, #tpu.memory_space<vmem>>) semaphore(%arg24 : memref<!tpu.dma_semaphore, #tpu.memory_space<semaphore_mem>>)
        } else {
        }
        %scan3A_161 = arith.constant 0 : i32
        scf.yield %scan3A_161 : i32
      }
      %scan3A_56 = arith.constant 32 : i32
      %dma_wait3A = arith.constant 63 : i32
      %dma_wait3A_57 = arith.constant 0 : i32
      %dma_wait3A_58 = tpu.memref_slice %arg11[%dma_wait3A, %dma_wait3A_57] : memref<64x128xi32, #tpu.memory_space<vmem>> -> memref<1x128xi32, #tpu.memory_space<vmem>>
      %dma_wait3A_59 = tpu.memref_squeeze %dma_wait3A_58 : memref<1x128xi32, #tpu.memory_space<vmem>> -> memref<128xi32, #tpu.memory_space<vmem>>
      %dma_wait3A_60 = arith.constant 0 : i32
      %dma_wait3A_61 = arith.constant 0 : i32
      %dma_wait3A_62 = tpu.memref_slice %arg19[%dma_wait3A_60, %dma_wait3A_61] : memref<8192x128xf32, #tpu.memory_space<vmem_shared>> -> memref<8192x128xf32, #tpu.memory_space<vmem_shared>>
      tpu.wait_indirect_dma semaphore(%arg27 : memref<!tpu.dma_semaphore, #tpu.memory_space<semaphore_mem>>) src(%arg13 : memref<128x128xf32, #tpu.memory_space<vmem>>) dst(%dma_wait3A_62 : memref<8192x128xf32, #tpu.memory_space<vmem_shared>>)
      %dma_wait3A_63 = arith.constant 63 : i32
      %dma_wait3A_64 = arith.constant 0 : i32
      %dma_wait3A_65 = tpu.memref_slice %arg11[%dma_wait3A_63, %dma_wait3A_64] : memref<64x128xi32, #tpu.memory_space<vmem>> -> memref<1x128xi32, #tpu.memory_space<vmem>>
      %dma_wait3A_66 = tpu.memref_squeeze %dma_wait3A_65 : memref<1x128xi32, #tpu.memory_space<vmem>> -> memref<128xi32, #tpu.memory_space<vmem>>
      %dma_wait3A_67 = arith.constant 0 : i32
      %dma_wait3A_68 = tpu.memref_slice %arg20[%dma_wait3A_67] : memref<8448xf32, #tpu.memory_space<vmem_shared>> -> memref<8448xf32, #tpu.memory_space<vmem_shared>>
      tpu.wait_indirect_dma semaphore(%arg29 : memref<!tpu.dma_semaphore, #tpu.memory_space<semaphore_mem>>) src(%arg15 : memref<128xf32, #tpu.memory_space<vmem>>) dst(%dma_wait3A_68 : memref<8448xf32, #tpu.memory_space<vmem_shared>>)
      %barrier3A_69 = arith.constant 0 : index
      tpu.barrier barrier_id(%barrier3A_69)
      %mul3A_70 = arith.constant 512 : i32
      %mul3A_71 = arith.muli %arg1, %mul3A_70 : i32
      "tpu.region"() ({
        %run_scoped3A = tpu.sem_alloc : memref<!tpu.dma_semaphore, #tpu.memory_space<semaphore_mem>>
        %dma_start3A_79 = arith.constant 0 : i32
        %dma_start3A_80 = tpu.memref_slice %arg17[%dma_start3A_79] : memref<528xf32, #tpu.memory_space<vmem>> -> memref<512xf32, #tpu.memory_space<vmem>>
        %dma_start3A_81 = tpu.memref_slice %arg20[%mul3A_71] : memref<8448xf32, #tpu.memory_space<vmem_shared>> -> memref<512xf32, #tpu.memory_space<vmem_shared>>
        %dma_start3A_82 = arith.constant 0 : i32
        %dma_start3A_83 = tpu.memref_slice %arg17[%dma_start3A_82] : memref<528xf32, #tpu.memory_space<vmem>> -> memref<512xf32, #tpu.memory_space<vmem>>
        %dma_start3A_84 = tpu.memref_slice %arg20[%mul3A_71] : memref<8448xf32, #tpu.memory_space<vmem_shared>> -> memref<512xf32, #tpu.memory_space<vmem_shared>>
        tpu.enqueue_dma source(%dma_start3A_84 : memref<512xf32, #tpu.memory_space<vmem_shared>>) target(%dma_start3A_83 : memref<512xf32, #tpu.memory_space<vmem>>) target_semaphore(%run_scoped3A : memref<!tpu.dma_semaphore, #tpu.memory_space<semaphore_mem>>)
        %dma_wait3A_85 = arith.constant 0 : i32
        %dma_wait3A_86 = tpu.memref_slice %arg17[%dma_wait3A_85] : memref<528xf32, #tpu.memory_space<vmem>> -> memref<512xf32, #tpu.memory_space<vmem>>
        %dma_wait3A_87 = tpu.memref_slice %arg20[%mul3A_71] : memref<8448xf32, #tpu.memory_space<vmem_shared>> -> memref<512xf32, #tpu.memory_space<vmem_shared>>
        %dma_wait3A_88 = arith.constant 0 : i32
        %dma_wait3A_89 = tpu.memref_slice %arg17[%dma_wait3A_88] : memref<528xf32, #tpu.memory_space<vmem>> -> memref<512xf32, #tpu.memory_space<vmem>>
        %dma_wait3A_90 = tpu.memref_slice %arg20[%mul3A_71] : memref<8448xf32, #tpu.memory_space<vmem_shared>> -> memref<512xf32, #tpu.memory_space<vmem_shared>>
        tpu.wait_dma2 semaphore(%run_scoped3A : memref<!tpu.dma_semaphore, #tpu.memory_space<semaphore_mem>>) src(%dma_wait3A_90 : memref<512xf32, #tpu.memory_space<vmem_shared>>) dst(%dma_wait3A_89 : memref<512xf32, #tpu.memory_space<vmem>>)
        tpu.yield
      }) : () -> ()
      %scan3A_72 = arith.constant 0 : i32
      %scan3A_73 = arith.constant 0 : i32
      %scan3A_74 = arith.constant 32 : i32
      %scan3A_75 = arith.addi %scan3A_73, %scan3A_74 : i32
      %scan3A_76 = arith.constant 1 : i32
      %scan3A_77 = scf.for %scan3A_79 = %scan3A_73 to %scan3A_75 step %scan3A_76 iter_args(%scan3A_80 = %scan3A_72) -> (i32)  : i32 {
        %mul3A_81 = arith.constant 512 : i32
        %mul3A_82 = arith.muli %arg1, %mul3A_81 : i32
        %mul3A_83 = arith.constant 16 : i32
        %mul3A_84 = arith.muli %scan3A_79, %mul3A_83 : i32
        %add3A = arith.addi %mul3A_82, %mul3A_84 : i32
        "tpu.region"() ({
          %run_scoped3A = tpu.sem_alloc : memref<!tpu.dma_semaphore, #tpu.memory_space<semaphore_mem>>
          %dma_start3A_93 = arith.constant 0 : i32
          %dma_start3A_94 = arith.constant 0 : i32
          %dma_start3A_95 = tpu.memref_slice %arg12[%dma_start3A_93, %dma_start3A_94] : memref<128x128xf32, #tpu.memory_space<vmem>> -> memref<16x128xf32, #tpu.memory_space<vmem>>
          %dma_start3A_96 = arith.constant 0 : i32
          %dma_start3A_97 = tpu.memref_slice %arg19[%add3A, %dma_start3A_96] : memref<8192x128xf32, #tpu.memory_space<vmem_shared>> -> memref<16x128xf32, #tpu.memory_space<vmem_shared>>
          %dma_start3A_98 = arith.constant 0 : i32
          %dma_start3A_99 = arith.constant 0 : i32
          %dma_start3A_100 = tpu.memref_slice %arg12[%dma_start3A_98, %dma_start3A_99] : memref<128x128xf32, #tpu.memory_space<vmem>> -> memref<16x128xf32, #tpu.memory_space<vmem>>
          %dma_start3A_101 = arith.constant 0 : i32
          %dma_start3A_102 = tpu.memref_slice %arg19[%add3A, %dma_start3A_101] : memref<8192x128xf32, #tpu.memory_space<vmem_shared>> -> memref<16x128xf32, #tpu.memory_space<vmem_shared>>
          tpu.enqueue_dma source(%dma_start3A_102 : memref<16x128xf32, #tpu.memory_space<vmem_shared>>) target(%dma_start3A_100 : memref<16x128xf32, #tpu.memory_space<vmem>>) target_semaphore(%run_scoped3A : memref<!tpu.dma_semaphore, #tpu.memory_space<semaphore_mem>>)
          %dma_wait3A_103 = arith.constant 0 : i32
          %dma_wait3A_104 = arith.constant 0 : i32
          %dma_wait3A_105 = tpu.memref_slice %arg12[%dma_wait3A_103, %dma_wait3A_104] : memref<128x128xf32, #tpu.memory_space<vmem>> -> memref<16x128xf32, #tpu.memory_space<vmem>>
          %dma_wait3A_106 = arith.constant 0 : i32
          %dma_wait3A_107 = tpu.memref_slice %arg19[%add3A, %dma_wait3A_106] : memref<8192x128xf32, #tpu.memory_space<vmem_shared>> -> memref<16x128xf32, #tpu.memory_space<vmem_shared>>
          %dma_wait3A_108 = arith.constant 0 : i32
          %dma_wait3A_109 = arith.constant 0 : i32
          %dma_wait3A_110 = tpu.memref_slice %arg12[%dma_wait3A_108, %dma_wait3A_109] : memref<128x128xf32, #tpu.memory_space<vmem>> -> memref<16x128xf32, #tpu.memory_space<vmem>>
          %dma_wait3A_111 = arith.constant 0 : i32
          %dma_wait3A_112 = tpu.memref_slice %arg19[%add3A, %dma_wait3A_111] : memref<8192x128xf32, #tpu.memory_space<vmem_shared>> -> memref<16x128xf32, #tpu.memory_space<vmem_shared>>
          tpu.wait_dma2 semaphore(%run_scoped3A : memref<!tpu.dma_semaphore, #tpu.memory_space<semaphore_mem>>) src(%dma_wait3A_112 : memref<16x128xf32, #tpu.memory_space<vmem_shared>>) dst(%dma_wait3A_110 : memref<16x128xf32, #tpu.memory_space<vmem>>)
          tpu.yield
        }) : () -> ()
        %scan3A_85 = arith.constant 0 : i32
        %scan3A_86 = arith.constant 0 : i32
        %scan3A_87 = arith.constant 16 : i32
        %scan3A_88 = arith.addi %scan3A_86, %scan3A_87 : i32
        %scan3A_89 = arith.constant 1 : i32
        %scan3A_90 = scf.for %scan3A_93 = %scan3A_86 to %scan3A_88 step %scan3A_89 iter_args(%scan3A_94 = %scan3A_85) -> (i32)  : i32 {
          %mul3A_95 = arith.constant 16 : i32
          %mul3A_96 = arith.muli %scan3A_79, %mul3A_95 : i32
          %add3A_97 = arith.addi %mul3A_96, %scan3A_93 : i32
          %get3A = arith.index_cast %add3A_97 : i32 to index
          %get3A_98 = tpu.vector_load %arg17[%get3A] {strides = array<i32>} : memref<528xf32, #tpu.memory_space<vmem>>, vector<16xf32>,
          %get3A_99 = vector.shape_cast %get3A_98 : vector<16xf32> to vector<16xf32>
          %slice3A = vector.extract_strided_slice %get3A_99 {offsets = [0], sizes = [1], strides = [1]} : vector<16xf32> to vector<1xf32>
          %squeeze3A = vector.extract %slice3A[0] : f32 from vector<1xf32>
          %add3A_100 = arith.constant 1.000000e-30 : f32
          %add3A_101 = arith.addf %squeeze3A, %add3A_100 : f32
          %add3A_102 = vector.broadcast %add3A_101 : f32 to vector<16xf32>
          %add3A_103 = arith.addf %broadcast_in_dim3A_7, %add3A_102 : vector<16xf32>
          %scan3A_104 = arith.constant 0 : i32
          %scan3A_105 = arith.constant 0 : i32
          %scan3A_106 = arith.constant 8 : i32
          %scan3A_107 = arith.addi %scan3A_105, %scan3A_106 : i32
          %scan3A_108 = arith.constant 1 : i32
          %scan3A_109 = scf.for %scan3A_112 = %scan3A_105 to %scan3A_107 step %scan3A_108 iter_args(%scan3A_113 = %scan3A_104) -> (i32)  : i32 {
            %mul3A_114 = arith.constant 16 : i32
            %mul3A_115 = arith.muli %scan3A_112, %mul3A_114 : i32
            %get3A_116 = arith.index_cast %scan3A_93 : i32 to index
            %get3A_117 = arith.index_cast %mul3A_115 : i32 to index
            %get3A_118 = tpu.vector_load %arg12[%get3A_116, %get3A_117] {strides = array<i32>} : memref<128x128xf32, #tpu.memory_space<vmem>>, vector<1x16xf32>,
            %get3A_119 = vector.shape_cast %get3A_118 : vector<1x16xf32> to vector<16xf32>
            %div3A = arith.divf %get3A_119, %add3A_103 : vector<16xf32>
            %mul3A_120 = arith.constant 16 : i32
            %mul3A_121 = arith.muli %scan3A_112, %mul3A_120 : i32
            %swap3A = arith.index_cast %scan3A_93 : i32 to index
            %swap3A_122 = arith.index_cast %mul3A_121 : i32 to index
            %swap3A_123 = tpu.vector_load %arg18[%swap3A, %swap3A_122] {strides = array<i32>} : memref<16x128xf32, #tpu.memory_space<vmem>>, vector<1x16xf32>,
            %swap3A_124 = vector.shape_cast %swap3A_123 : vector<1x16xf32> to vector<16xf32>
            %swap3A_125 = vector.shape_cast %div3A : vector<16xf32> to vector<1x16xf32>
            tpu.vector_store %arg18[%swap3A, %swap3A_122], %swap3A_125 {strides = array<i32>} : memref<16x128xf32, #tpu.memory_space<vmem>>, vector<1x16xf32>,
            %scan3A_126 = arith.constant 0 : i32
            scf.yield %scan3A_126 : i32
          }
          %scan3A_110 = arith.constant 8 : i32
          %scan3A_111 = arith.constant 0 : i32
          scf.yield %scan3A_111 : i32
        }
        %scan3A_91 = arith.constant 16 : i32
        "tpu.region"() ({
          %run_scoped3A = tpu.sem_alloc : memref<!tpu.dma_semaphore, #tpu.memory_space<semaphore_mem>>
          %dma_start3A_93 = arith.constant 0 : i32
          %dma_start3A_94 = tpu.memref_slice %arg8[%add3A, %dma_start3A_93] : memref<8192x128xf32, #tpu.memory_space<hbm>> -> memref<16x128xf32, #tpu.memory_space<hbm>>
          %dma_start3A_95 = arith.constant 0 : i32
          %dma_start3A_96 = tpu.memref_slice %arg8[%add3A, %dma_start3A_95] : memref<8192x128xf32, #tpu.memory_space<hbm>> -> memref<16x128xf32, #tpu.memory_space<hbm>>
          tpu.enqueue_dma source(%arg18 : memref<16x128xf32, #tpu.memory_space<vmem>>) target(%dma_start3A_96 : memref<16x128xf32, #tpu.memory_space<hbm>>) target_semaphore(%run_scoped3A : memref<!tpu.dma_semaphore, #tpu.memory_space<semaphore_mem>>)
          %dma_wait3A_97 = arith.constant 0 : i32
          %dma_wait3A_98 = tpu.memref_slice %arg8[%add3A, %dma_wait3A_97] : memref<8192x128xf32, #tpu.memory_space<hbm>> -> memref<16x128xf32, #tpu.memory_space<hbm>>
          %dma_wait3A_99 = arith.constant 0 : i32
          %dma_wait3A_100 = tpu.memref_slice %arg8[%add3A, %dma_wait3A_99] : memref<8192x128xf32, #tpu.memory_space<hbm>> -> memref<16x128xf32, #tpu.memory_space<hbm>>
          tpu.wait_dma2 semaphore(%run_scoped3A : memref<!tpu.dma_semaphore, #tpu.memory_space<semaphore_mem>>) src(%arg18 : memref<16x128xf32, #tpu.memory_space<vmem>>) dst(%dma_wait3A_100 : memref<16x128xf32, #tpu.memory_space<hbm>>)
          tpu.yield
        }) : () -> ()
        %scan3A_92 = arith.constant 0 : i32
        scf.yield %scan3A_92 : i32
      }
      %scan3A_78 = arith.constant 32 : i32
    } else {
    }
    %eq3A_2 = arith.constant 1 : i32
    %eq3A_3 = arith.cmpi eq, %arg0, %eq3A_2 : i32
    %convert_element_type3A_4 = arith.extui %eq3A_3 : i1 to i32
    %cond3A_5 = arith.constant 0 : i32
    %cond3A_6 = arith.cmpi ne, %convert_element_type3A_4, %cond3A_5 : i32
    scf.if %cond3A_6 {
      %broadcast_in_dim3A = arith.constant 0.000000e+00 : f32
      %broadcast_in_dim3A_7 = vector.broadcast %broadcast_in_dim3A : f32 to vector<16xf32>
      %mul3A = arith.constant 64 : i32
      %mul3A_8 = arith.muli %arg1, %mul3A : i32
      "tpu.region"() ({
        %run_scoped3A = tpu.sem_alloc : memref<!tpu.dma_semaphore, #tpu.memory_space<semaphore_mem>>
        %dma_start3A_79 = arith.constant 0 : i32
        %dma_start3A_80 = tpu.memref_slice %arg6[%mul3A_8, %dma_start3A_79] : memref<1024x128xi32, #tpu.memory_space<hbm>> -> memref<64x128xi32, #tpu.memory_space<hbm>>
        %dma_start3A_81 = arith.constant 0 : i32
        %dma_start3A_82 = tpu.memref_slice %arg6[%mul3A_8, %dma_start3A_81] : memref<1024x128xi32, #tpu.memory_space<hbm>> -> memref<64x128xi32, #tpu.memory_space<hbm>>
        tpu.enqueue_dma source(%dma_start3A_82 : memref<64x128xi32, #tpu.memory_space<hbm>>) target(%arg10 : memref<64x128xi32, #tpu.memory_space<vmem>>) target_semaphore(%run_scoped3A : memref<!tpu.dma_semaphore, #tpu.memory_space<semaphore_mem>>)
        %dma_wait3A_83 = arith.constant 0 : i32
        %dma_wait3A_84 = tpu.memref_slice %arg6[%mul3A_8, %dma_wait3A_83] : memref<1024x128xi32, #tpu.memory_space<hbm>> -> memref<64x128xi32, #tpu.memory_space<hbm>>
        %dma_wait3A_85 = arith.constant 0 : i32
        %dma_wait3A_86 = tpu.memref_slice %arg6[%mul3A_8, %dma_wait3A_85] : memref<1024x128xi32, #tpu.memory_space<hbm>> -> memref<64x128xi32, #tpu.memory_space<hbm>>
        tpu.wait_dma2 semaphore(%run_scoped3A : memref<!tpu.dma_semaphore, #tpu.memory_space<semaphore_mem>>) src(%dma_wait3A_86 : memref<64x128xi32, #tpu.memory_space<hbm>>) dst(%arg10 : memref<64x128xi32, #tpu.memory_space<vmem>>)
        tpu.yield
      }) : () -> ()
      %mul3A_9 = arith.constant 64 : i32
      %mul3A_10 = arith.muli %arg1, %mul3A_9 : i32
      "tpu.region"() ({
        %run_scoped3A = tpu.sem_alloc : memref<!tpu.dma_semaphore, #tpu.memory_space<semaphore_mem>>
        %dma_start3A_79 = arith.constant 0 : i32
        %dma_start3A_80 = tpu.memref_slice %arg7[%mul3A_10, %dma_start3A_79] : memref<1024x128xi32, #tpu.memory_space<hbm>> -> memref<64x128xi32, #tpu.memory_space<hbm>>
        %dma_start3A_81 = arith.constant 0 : i32
        %dma_start3A_82 = tpu.memref_slice %arg7[%mul3A_10, %dma_start3A_81] : memref<1024x128xi32, #tpu.memory_space<hbm>> -> memref<64x128xi32, #tpu.memory_space<hbm>>
        tpu.enqueue_dma source(%dma_start3A_82 : memref<64x128xi32, #tpu.memory_space<hbm>>) target(%arg11 : memref<64x128xi32, #tpu.memory_space<vmem>>) target_semaphore(%run_scoped3A : memref<!tpu.dma_semaphore, #tpu.memory_space<semaphore_mem>>)
        %dma_wait3A_83 = arith.constant 0 : i32
        %dma_wait3A_84 = tpu.memref_slice %arg7[%mul3A_10, %dma_wait3A_83] : memref<1024x128xi32, #tpu.memory_space<hbm>> -> memref<64x128xi32, #tpu.memory_space<hbm>>
        %dma_wait3A_85 = arith.constant 0 : i32
        %dma_wait3A_86 = tpu.memref_slice %arg7[%mul3A_10, %dma_wait3A_85] : memref<1024x128xi32, #tpu.memory_space<hbm>> -> memref<64x128xi32, #tpu.memory_space<hbm>>
        tpu.wait_dma2 semaphore(%run_scoped3A : memref<!tpu.dma_semaphore, #tpu.memory_space<semaphore_mem>>) src(%dma_wait3A_86 : memref<64x128xi32, #tpu.memory_space<hbm>>) dst(%arg11 : memref<64x128xi32, #tpu.memory_space<vmem>>)
        tpu.yield
      }) : () -> ()
      %eq3A_11 = arith.constant 0 : i32
      %eq3A_12 = arith.cmpi eq, %arg1, %eq3A_11 : i32
      %convert_element_type3A_13 = arith.extui %eq3A_12 : i1 to i32
      %cond3A_14 = arith.constant 0 : i32
      %cond3A_15 = arith.cmpi ne, %convert_element_type3A_13, %cond3A_14 : i32
      scf.if %cond3A_15 {
        "tpu.region"() ({
          %run_scoped3A = tpu.sem_alloc : memref<!tpu.dma_semaphore, #tpu.memory_space<semaphore_mem>>
          tpu.enqueue_dma source(%arg5 : memref<50000xf32, #tpu.memory_space<hbm>>) target(%arg21 : memref<50000xf32, #tpu.memory_space<vmem_shared>>) target_semaphore(%run_scoped3A : memref<!tpu.dma_semaphore, #tpu.memory_space<semaphore_mem>>)
          tpu.wait_dma2 semaphore(%run_scoped3A : memref<!tpu.dma_semaphore, #tpu.memory_space<semaphore_mem>>) src(%arg5 : memref<50000xf32, #tpu.memory_space<hbm>>) dst(%arg21 : memref<50000xf32, #tpu.memory_space<vmem_shared>>)
          tpu.yield
        }) : () -> ()
      } else {
      }
      %scan3A = arith.constant 0 : i32
      %scan3A_16 = arith.constant 0 : i32
      %scan3A_17 = arith.constant 1024 : i32
      %scan3A_18 = arith.addi %scan3A_16, %scan3A_17 : i32
      %scan3A_19 = arith.constant 1 : i32
      %scan3A_20 = scf.for %scan3A_79 = %scan3A_16 to %scan3A_18 step %scan3A_19 iter_args(%scan3A_80 = %scan3A) -> (i32)  : i32 {
        %jit3A = arith.constant 8 : i32
        %div3A = arith.divsi %scan3A_79, %jit3A : i32
        %sign3A = arith.constant 0 : i32
        %sign3A_81 = arith.cmpi sgt, %scan3A_79, %sign3A : i32
        %sign3A_82 = arith.extui %sign3A_81 : i1 to i32
        %sign3A_83 = arith.constant 0 : i32
        %sign3A_84 = arith.cmpi slt, %scan3A_79, %sign3A_83 : i32
        %sign3A_85 = arith.extui %sign3A_84 : i1 to i32
        %sign3A_86 = arith.subi %sign3A_82, %sign3A_85 : i32
        %sign3A_87 = arith.constant 0 : i32
        %sign3A_88 = arith.cmpi sgt, %jit3A, %sign3A_87 : i32
        %sign3A_89 = arith.extui %sign3A_88 : i1 to i32
        %sign3A_90 = arith.constant 0 : i32
        %sign3A_91 = arith.cmpi slt, %jit3A, %sign3A_90 : i32
        %sign3A_92 = arith.extui %sign3A_91 : i1 to i32
        %sign3A_93 = arith.subi %sign3A_89, %sign3A_92 : i32
        %ne3A = arith.cmpi ne, %sign3A_86, %sign3A_93 : i32
        %rem3A = arith.remsi %scan3A_79, %jit3A : i32
        %ne3A_94 = arith.constant 0 : i32
        %ne3A_95 = arith.cmpi ne, %rem3A, %ne3A_94 : i32
        %and3A = arith.andi %ne3A, %ne3A_95 : i1
        %sub3A = arith.constant 1 : i32
        %sub3A_96 = arith.subi %div3A, %sub3A : i32
        %select_n3A = arith.select %and3A, %sub3A_96, %div3A : i32
        %jit3A_97 = arith.constant 8 : i32
        %eq3A_98 = arith.constant 0 : i32
        %eq3A_99 = arith.cmpi eq, %jit3A_97, %eq3A_98 : i32
        %jit3A_100 = arith.constant 1 : i32
        %select_n3A_101 = arith.select %eq3A_99, %jit3A_100, %jit3A_97 : i32
        %rem3A_102 = arith.remsi %scan3A_79, %select_n3A_101 : i32
        %ne3A_103 = arith.constant 0 : i32
        %ne3A_104 = arith.cmpi ne, %rem3A_102, %ne3A_103 : i32
        %lt3A = arith.constant 0 : i32
        %lt3A_105 = arith.cmpi slt, %rem3A_102, %lt3A : i32
        %lt3A_106 = arith.constant 0 : i32
        %lt3A_107 = arith.cmpi slt, %select_n3A_101, %lt3A_106 : i32
        %ne3A_108 = arith.xori %lt3A_105, %lt3A_107 : i1
        %and3A_109 = arith.andi %ne3A_108, %ne3A_104 : i1
        %add3A = arith.addi %rem3A_102, %select_n3A_101 : i32
        %select_n3A_110 = arith.select %and3A_109, %add3A, %rem3A_102 : i32
        %mul3A_111 = arith.constant 16 : i32
        %mul3A_112 = arith.muli %select_n3A_110, %mul3A_111 : i32
        %swap3A = arith.index_cast %select_n3A : i32 to index
        %swap3A_113 = arith.index_cast %mul3A_112 : i32 to index
        %swap3A_114 = tpu.vector_load %arg12[%swap3A, %swap3A_113] {strides = array<i32>} : memref<128x128xf32, #tpu.memory_space<vmem>>, vector<1x16xf32>,
        %swap3A_115 = vector.shape_cast %swap3A_114 : vector<1x16xf32> to vector<16xf32>
        %swap3A_116 = vector.shape_cast %broadcast_in_dim3A_7 : vector<16xf32> to vector<1x16xf32>
        tpu.vector_store %arg12[%swap3A, %swap3A_113], %swap3A_116 {strides = array<i32>} : memref<128x128xf32, #tpu.memory_space<vmem>>, vector<1x16xf32>,
        %scan3A_117 = arith.constant 0 : i32
        scf.yield %scan3A_117 : i32
      }
      %scan3A_21 = arith.constant 1024 : i32
      %scan3A_22 = arith.constant 0 : i32
      %scan3A_23 = arith.constant 0 : i32
      %scan3A_24 = arith.constant 33 : i32
      %scan3A_25 = arith.addi %scan3A_23, %scan3A_24 : i32
      %scan3A_26 = arith.constant 1 : i32
      %scan3A_27 = scf.for %scan3A_79 = %scan3A_23 to %scan3A_25 step %scan3A_26 iter_args(%scan3A_80 = %scan3A_22) -> (i32)  : i32 {
        %mul3A_81 = arith.constant 16 : i32
        %mul3A_82 = arith.muli %scan3A_79, %mul3A_81 : i32
        %swap3A = arith.index_cast %mul3A_82 : i32 to index
        %swap3A_83 = tpu.vector_load %arg16[%swap3A] {strides = array<i32>} : memref<528xf32, #tpu.memory_space<vmem>>, vector<16xf32>,
        %swap3A_84 = vector.shape_cast %swap3A_83 : vector<16xf32> to vector<16xf32>
        %swap3A_85 = vector.shape_cast %broadcast_in_dim3A_7 : vector<16xf32> to vector<16xf32>
        tpu.vector_store %arg16[%swap3A], %swap3A_85 {strides = array<i32>} : memref<528xf32, #tpu.memory_space<vmem>>, vector<16xf32>,
        %scan3A_86 = arith.constant 0 : i32
        scf.yield %scan3A_86 : i32
      }
      %scan3A_28 = arith.constant 33 : i32
      %scan3A_29 = arith.constant 0 : i32
      %scan3A_30 = arith.constant 0 : i32
      %scan3A_31 = arith.constant 4 : i32
      %scan3A_32 = arith.addi %scan3A_30, %scan3A_31 : i32
      %scan3A_33 = arith.constant 1 : i32
      %scan3A_34 = scf.for %scan3A_79 = %scan3A_30 to %scan3A_32 step %scan3A_33 iter_args(%scan3A_80 = %scan3A_29) -> (i32)  : i32 {
        %mul3A_81 = arith.constant 4 : i32
        %mul3A_82 = arith.muli %arg1, %mul3A_81 : i32
        %add3A = arith.addi %mul3A_82, %scan3A_79 : i32
        %mul3A_83 = arith.constant 128 : i32
        %mul3A_84 = arith.muli %add3A, %mul3A_83 : i32
        "tpu.region"() ({
          %run_scoped3A = tpu.sem_alloc : memref<!tpu.dma_semaphore, #tpu.memory_space<semaphore_mem>>
          %dma_start3A_86 = arith.constant 0 : i32
          %dma_start3A_87 = tpu.memref_slice %arg19[%mul3A_84, %dma_start3A_86] : memref<8192x128xf32, #tpu.memory_space<vmem_shared>> -> memref<128x128xf32, #tpu.memory_space<vmem_shared>>
          %dma_start3A_88 = arith.constant 0 : i32
          %dma_start3A_89 = tpu.memref_slice %arg19[%mul3A_84, %dma_start3A_88] : memref<8192x128xf32, #tpu.memory_space<vmem_shared>> -> memref<128x128xf32, #tpu.memory_space<vmem_shared>>
          tpu.enqueue_dma source(%arg12 : memref<128x128xf32, #tpu.memory_space<vmem>>) target(%dma_start3A_89 : memref<128x128xf32, #tpu.memory_space<vmem_shared>>) target_semaphore(%run_scoped3A : memref<!tpu.dma_semaphore, #tpu.memory_space<semaphore_mem>>)
          %dma_wait3A_90 = arith.constant 0 : i32
          %dma_wait3A_91 = tpu.memref_slice %arg19[%mul3A_84, %dma_wait3A_90] : memref<8192x128xf32, #tpu.memory_space<vmem_shared>> -> memref<128x128xf32, #tpu.memory_space<vmem_shared>>
          %dma_wait3A_92 = arith.constant 0 : i32
          %dma_wait3A_93 = tpu.memref_slice %arg19[%mul3A_84, %dma_wait3A_92] : memref<8192x128xf32, #tpu.memory_space<vmem_shared>> -> memref<128x128xf32, #tpu.memory_space<vmem_shared>>
          tpu.wait_dma2 semaphore(%run_scoped3A : memref<!tpu.dma_semaphore, #tpu.memory_space<semaphore_mem>>) src(%arg12 : memref<128x128xf32, #tpu.memory_space<vmem>>) dst(%dma_wait3A_93 : memref<128x128xf32, #tpu.memory_space<vmem_shared>>)
          tpu.yield
        }) : () -> ()
        %scan3A_85 = arith.constant 0 : i32
        scf.yield %scan3A_85 : i32
      }
      %scan3A_35 = arith.constant 4 : i32
      %mul3A_36 = arith.constant 528 : i32
      %mul3A_37 = arith.muli %arg1, %mul3A_36 : i32
      "tpu.region"() ({
        %run_scoped3A = tpu.sem_alloc : memref<!tpu.dma_semaphore, #tpu.memory_space<semaphore_mem>>
        %dma_start3A_79 = tpu.memref_slice %arg20[%mul3A_37] : memref<8448xf32, #tpu.memory_space<vmem_shared>> -> memref<528xf32, #tpu.memory_space<vmem_shared>>
        %dma_start3A_80 = tpu.memref_slice %arg20[%mul3A_37] : memref<8448xf32, #tpu.memory_space<vmem_shared>> -> memref<528xf32, #tpu.memory_space<vmem_shared>>
        tpu.enqueue_dma source(%arg16 : memref<528xf32, #tpu.memory_space<vmem>>) target(%dma_start3A_80 : memref<528xf32, #tpu.memory_space<vmem_shared>>) target_semaphore(%run_scoped3A : memref<!tpu.dma_semaphore, #tpu.memory_space<semaphore_mem>>)
        %dma_wait3A_81 = tpu.memref_slice %arg20[%mul3A_37] : memref<8448xf32, #tpu.memory_space<vmem_shared>> -> memref<528xf32, #tpu.memory_space<vmem_shared>>
        %dma_wait3A_82 = tpu.memref_slice %arg20[%mul3A_37] : memref<8448xf32, #tpu.memory_space<vmem_shared>> -> memref<528xf32, #tpu.memory_space<vmem_shared>>
        tpu.wait_dma2 semaphore(%run_scoped3A : memref<!tpu.dma_semaphore, #tpu.memory_space<semaphore_mem>>) src(%arg16 : memref<528xf32, #tpu.memory_space<vmem>>) dst(%dma_wait3A_82 : memref<528xf32, #tpu.memory_space<vmem_shared>>)
        tpu.yield
      }) : () -> ()
      %barrier3A = arith.constant 0 : index
      tpu.barrier barrier_id(%barrier3A)
      %dma_start3A = arith.constant 0 : i32
      %dma_start3A_38 = arith.constant 0 : i32
      %dma_start3A_39 = tpu.memref_slice %arg10[%dma_start3A, %dma_start3A_38] : memref<64x128xi32, #tpu.memory_space<vmem>> -> memref<1x128xi32, #tpu.memory_space<vmem>>
      %dma_start3A_40 = tpu.memref_squeeze %dma_start3A_39 : memref<1x128xi32, #tpu.memory_space<vmem>> -> memref<128xi32, #tpu.memory_space<vmem>>
      %dma_start3A_41 = arith.constant 0 : i32
      %dma_start3A_42 = arith.constant 0 : i32
      %dma_start3A_43 = tpu.memref_slice %arg3[%dma_start3A_41, %dma_start3A_42] : memref<50000x128xf32, #tpu.memory_space<hbm>> -> memref<50000x128xf32, #tpu.memory_space<hbm>>
      tpu.enqueue_indirect_dma source(%dma_start3A_43 : memref<50000x128xf32, #tpu.memory_space<hbm>>) target(%arg12 : memref<128x128xf32, #tpu.memory_space<vmem>>) offsets(%dma_start3A_40 : memref<128xi32, #tpu.memory_space<vmem>>) semaphore(%arg22 : memref<!tpu.dma_semaphore, #tpu.memory_space<semaphore_mem>>)
      %dma_start3A_44 = arith.constant 0 : i32
      %dma_start3A_45 = arith.constant 0 : i32
      %dma_start3A_46 = tpu.memref_slice %arg10[%dma_start3A_44, %dma_start3A_45] : memref<64x128xi32, #tpu.memory_space<vmem>> -> memref<1x128xi32, #tpu.memory_space<vmem>>
      %dma_start3A_47 = tpu.memref_squeeze %dma_start3A_46 : memref<1x128xi32, #tpu.memory_space<vmem>> -> memref<128xi32, #tpu.memory_space<vmem>>
      %dma_start3A_48 = arith.constant 0 : i32
      %dma_start3A_49 = tpu.memref_slice %arg21[%dma_start3A_48] : memref<50000xf32, #tpu.memory_space<vmem_shared>> -> memref<50000xf32, #tpu.memory_space<vmem_shared>>
      tpu.enqueue_indirect_dma source(%dma_start3A_49 : memref<50000xf32, #tpu.memory_space<vmem_shared>>) target(%arg14 : memref<128xf32, #tpu.memory_space<vmem>>) offsets(%dma_start3A_47 : memref<128xi32, #tpu.memory_space<vmem>>) semaphore(%arg24 : memref<!tpu.dma_semaphore, #tpu.memory_space<semaphore_mem>>)
      %scan3A_50 = arith.constant 0 : i32
      %scan3A_51 = arith.constant 0 : i32
      %scan3A_52 = arith.constant 32 : i32
      %scan3A_53 = arith.addi %scan3A_51, %scan3A_52 : i32
      %scan3A_54 = arith.constant 1 : i32
      %scan3A_55 = scf.for %scan3A_79 = %scan3A_51 to %scan3A_53 step %scan3A_54 iter_args(%scan3A_80 = %scan3A_50) -> (i32)  : i32 {
        %mul3A_81 = arith.constant 2 : i32
        %mul3A_82 = arith.muli %scan3A_79, %mul3A_81 : i32
        %add3A = arith.constant 0 : i32
        %add3A_83 = arith.addi %mul3A_82, %add3A : i32
        %dma_wait3A_84 = arith.constant 0 : i32
        %dma_wait3A_85 = tpu.memref_slice %arg10[%add3A_83, %dma_wait3A_84] : memref<64x128xi32, #tpu.memory_space<vmem>> -> memref<1x128xi32, #tpu.memory_space<vmem>>
        %dma_wait3A_86 = tpu.memref_squeeze %dma_wait3A_85 : memref<1x128xi32, #tpu.memory_space<vmem>> -> memref<128xi32, #tpu.memory_space<vmem>>
        %dma_wait3A_87 = arith.constant 0 : i32
        %dma_wait3A_88 = arith.constant 0 : i32
        %dma_wait3A_89 = tpu.memref_slice %arg3[%dma_wait3A_87, %dma_wait3A_88] : memref<50000x128xf32, #tpu.memory_space<hbm>> -> memref<50000x128xf32, #tpu.memory_space<hbm>>
        tpu.wait_indirect_dma semaphore(%arg22 : memref<!tpu.dma_semaphore, #tpu.memory_space<semaphore_mem>>) src(%dma_wait3A_89 : memref<50000x128xf32, #tpu.memory_space<hbm>>) dst(%arg12 : memref<128x128xf32, #tpu.memory_space<vmem>>)
        %dma_wait3A_90 = arith.constant 0 : i32
        %dma_wait3A_91 = tpu.memref_slice %arg10[%add3A_83, %dma_wait3A_90] : memref<64x128xi32, #tpu.memory_space<vmem>> -> memref<1x128xi32, #tpu.memory_space<vmem>>
        %dma_wait3A_92 = tpu.memref_squeeze %dma_wait3A_91 : memref<1x128xi32, #tpu.memory_space<vmem>> -> memref<128xi32, #tpu.memory_space<vmem>>
        %dma_wait3A_93 = arith.constant 0 : i32
        %dma_wait3A_94 = tpu.memref_slice %arg21[%dma_wait3A_93] : memref<50000xf32, #tpu.memory_space<vmem_shared>> -> memref<50000xf32, #tpu.memory_space<vmem_shared>>
        tpu.wait_indirect_dma semaphore(%arg24 : memref<!tpu.dma_semaphore, #tpu.memory_space<semaphore_mem>>) src(%dma_wait3A_94 : memref<50000xf32, #tpu.memory_space<vmem_shared>>) dst(%arg14 : memref<128xf32, #tpu.memory_space<vmem>>)
        %dma_start3A_95 = arith.constant 0 : i32
        %dma_start3A_96 = tpu.memref_slice %arg11[%add3A_83, %dma_start3A_95] : memref<64x128xi32, #tpu.memory_space<vmem>> -> memref<1x128xi32, #tpu.memory_space<vmem>>
        %dma_start3A_97 = tpu.memref_squeeze %dma_start3A_96 : memref<1x128xi32, #tpu.memory_space<vmem>> -> memref<128xi32, #tpu.memory_space<vmem>>
        %dma_start3A_98 = arith.constant 0 : i32
        %dma_start3A_99 = arith.constant 0 : i32
        %dma_start3A_100 = tpu.memref_slice %arg19[%dma_start3A_98, %dma_start3A_99] : memref<8192x128xf32, #tpu.memory_space<vmem_shared>> -> memref<8192x128xf32, #tpu.memory_space<vmem_shared>>
        tpu.enqueue_indirect_dma source(%arg12 : memref<128x128xf32, #tpu.memory_space<vmem>>) target(%dma_start3A_100 : memref<8192x128xf32, #tpu.memory_space<vmem_shared>>) offsets(%dma_start3A_97 : memref<128xi32, #tpu.memory_space<vmem>>) semaphore(%arg26 : memref<!tpu.dma_semaphore, #tpu.memory_space<semaphore_mem>>) {add = true}
        %dma_start3A_101 = arith.constant 0 : i32
        %dma_start3A_102 = tpu.memref_slice %arg11[%add3A_83, %dma_start3A_101] : memref<64x128xi32, #tpu.memory_space<vmem>> -> memref<1x128xi32, #tpu.memory_space<vmem>>
        %dma_start3A_103 = tpu.memref_squeeze %dma_start3A_102 : memref<1x128xi32, #tpu.memory_space<vmem>> -> memref<128xi32, #tpu.memory_space<vmem>>
        %dma_start3A_104 = arith.constant 0 : i32
        %dma_start3A_105 = tpu.memref_slice %arg20[%dma_start3A_104] : memref<8448xf32, #tpu.memory_space<vmem_shared>> -> memref<8448xf32, #tpu.memory_space<vmem_shared>>
        tpu.enqueue_indirect_dma source(%arg14 : memref<128xf32, #tpu.memory_space<vmem>>) target(%dma_start3A_105 : memref<8448xf32, #tpu.memory_space<vmem_shared>>) offsets(%dma_start3A_103 : memref<128xi32, #tpu.memory_space<vmem>>) semaphore(%arg28 : memref<!tpu.dma_semaphore, #tpu.memory_space<semaphore_mem>>) {add = true}
        %gt3A = arith.constant 0 : i32
        %gt3A_106 = arith.cmpi sgt, %scan3A_79, %gt3A : i32
        %convert_element_type3A_107 = arith.extui %gt3A_106 : i1 to i32
        %cond3A_108 = arith.constant 0 : i32
        %cond3A_109 = arith.cmpi ne, %convert_element_type3A_107, %cond3A_108 : i32
        scf.if %cond3A_109 {
          %sub3A_162 = arith.constant 1 : i32
          %sub3A_163 = arith.subi %add3A_83, %sub3A_162 : i32
          %dma_wait3A_164 = arith.constant 0 : i32
          %dma_wait3A_165 = tpu.memref_slice %arg11[%sub3A_163, %dma_wait3A_164] : memref<64x128xi32, #tpu.memory_space<vmem>> -> memref<1x128xi32, #tpu.memory_space<vmem>>
          %dma_wait3A_166 = tpu.memref_squeeze %dma_wait3A_165 : memref<1x128xi32, #tpu.memory_space<vmem>> -> memref<128xi32, #tpu.memory_space<vmem>>
          %dma_wait3A_167 = arith.constant 0 : i32
          %dma_wait3A_168 = arith.constant 0 : i32
          %dma_wait3A_169 = tpu.memref_slice %arg19[%dma_wait3A_167, %dma_wait3A_168] : memref<8192x128xf32, #tpu.memory_space<vmem_shared>> -> memref<8192x128xf32, #tpu.memory_space<vmem_shared>>
          tpu.wait_indirect_dma semaphore(%arg27 : memref<!tpu.dma_semaphore, #tpu.memory_space<semaphore_mem>>) src(%arg13 : memref<128x128xf32, #tpu.memory_space<vmem>>) dst(%dma_wait3A_169 : memref<8192x128xf32, #tpu.memory_space<vmem_shared>>)
          %dma_wait3A_170 = arith.constant 0 : i32
          %dma_wait3A_171 = tpu.memref_slice %arg11[%sub3A_163, %dma_wait3A_170] : memref<64x128xi32, #tpu.memory_space<vmem>> -> memref<1x128xi32, #tpu.memory_space<vmem>>
          %dma_wait3A_172 = tpu.memref_squeeze %dma_wait3A_171 : memref<1x128xi32, #tpu.memory_space<vmem>> -> memref<128xi32, #tpu.memory_space<vmem>>
          %dma_wait3A_173 = arith.constant 0 : i32
          %dma_wait3A_174 = tpu.memref_slice %arg20[%dma_wait3A_173] : memref<8448xf32, #tpu.memory_space<vmem_shared>> -> memref<8448xf32, #tpu.memory_space<vmem_shared>>
          tpu.wait_indirect_dma semaphore(%arg29 : memref<!tpu.dma_semaphore, #tpu.memory_space<semaphore_mem>>) src(%arg15 : memref<128xf32, #tpu.memory_space<vmem>>) dst(%dma_wait3A_174 : memref<8448xf32, #tpu.memory_space<vmem_shared>>)
        } else {
        }
        %add3A_110 = arith.constant 1 : i32
        %add3A_111 = arith.addi %add3A_83, %add3A_110 : i32
        %lt3A = arith.constant 64 : i32
        %lt3A_112 = arith.cmpi slt, %add3A_111, %lt3A : i32
        %convert_element_type3A_113 = arith.extui %lt3A_112 : i1 to i32
        %cond3A_114 = arith.constant 0 : i32
        %cond3A_115 = arith.cmpi ne, %convert_element_type3A_113, %cond3A_114 : i32
        scf.if %cond3A_115 {
          %add3A_162 = arith.constant 1 : i32
          %add3A_163 = arith.addi %add3A_83, %add3A_162 : i32
          %dma_start3A_164 = arith.constant 0 : i32
          %dma_start3A_165 = tpu.memref_slice %arg10[%add3A_163, %dma_start3A_164] : memref<64x128xi32, #tpu.memory_space<vmem>> -> memref<1x128xi32, #tpu.memory_space<vmem>>
          %dma_start3A_166 = tpu.memref_squeeze %dma_start3A_165 : memref<1x128xi32, #tpu.memory_space<vmem>> -> memref<128xi32, #tpu.memory_space<vmem>>
          %dma_start3A_167 = arith.constant 0 : i32
          %dma_start3A_168 = arith.constant 0 : i32
          %dma_start3A_169 = tpu.memref_slice %arg3[%dma_start3A_167, %dma_start3A_168] : memref<50000x128xf32, #tpu.memory_space<hbm>> -> memref<50000x128xf32, #tpu.memory_space<hbm>>
          tpu.enqueue_indirect_dma source(%dma_start3A_169 : memref<50000x128xf32, #tpu.memory_space<hbm>>) target(%arg13 : memref<128x128xf32, #tpu.memory_space<vmem>>) offsets(%dma_start3A_166 : memref<128xi32, #tpu.memory_space<vmem>>) semaphore(%arg23 : memref<!tpu.dma_semaphore, #tpu.memory_space<semaphore_mem>>)
          %dma_start3A_170 = arith.constant 0 : i32
          %dma_start3A_171 = tpu.memref_slice %arg10[%add3A_163, %dma_start3A_170] : memref<64x128xi32, #tpu.memory_space<vmem>> -> memref<1x128xi32, #tpu.memory_space<vmem>>
          %dma_start3A_172 = tpu.memref_squeeze %dma_start3A_171 : memref<1x128xi32, #tpu.memory_space<vmem>> -> memref<128xi32, #tpu.memory_space<vmem>>
          %dma_start3A_173 = arith.constant 0 : i32
          %dma_start3A_174 = tpu.memref_slice %arg21[%dma_start3A_173] : memref<50000xf32, #tpu.memory_space<vmem_shared>> -> memref<50000xf32, #tpu.memory_space<vmem_shared>>
          tpu.enqueue_indirect_dma source(%dma_start3A_174 : memref<50000xf32, #tpu.memory_space<vmem_shared>>) target(%arg15 : memref<128xf32, #tpu.memory_space<vmem>>) offsets(%dma_start3A_172 : memref<128xi32, #tpu.memory_space<vmem>>) semaphore(%arg25 : memref<!tpu.dma_semaphore, #tpu.memory_space<semaphore_mem>>)
        } else {
        }
        %mul3A_116 = arith.constant 2 : i32
        %mul3A_117 = arith.muli %scan3A_79, %mul3A_116 : i32
        %add3A_118 = arith.constant 1 : i32
        %add3A_119 = arith.addi %mul3A_117, %add3A_118 : i32
        %dma_wait3A_120 = arith.constant 0 : i32
        %dma_wait3A_121 = tpu.memref_slice %arg10[%add3A_119, %dma_wait3A_120] : memref<64x128xi32, #tpu.memory_space<vmem>> -> memref<1x128xi32, #tpu.memory_space<vmem>>
        %dma_wait3A_122 = tpu.memref_squeeze %dma_wait3A_121 : memref<1x128xi32, #tpu.memory_space<vmem>> -> memref<128xi32, #tpu.memory_space<vmem>>
        %dma_wait3A_123 = arith.constant 0 : i32
        %dma_wait3A_124 = arith.constant 0 : i32
        %dma_wait3A_125 = tpu.memref_slice %arg3[%dma_wait3A_123, %dma_wait3A_124] : memref<50000x128xf32, #tpu.memory_space<hbm>> -> memref<50000x128xf32, #tpu.memory_space<hbm>>
        tpu.wait_indirect_dma semaphore(%arg23 : memref<!tpu.dma_semaphore, #tpu.memory_space<semaphore_mem>>) src(%dma_wait3A_125 : memref<50000x128xf32, #tpu.memory_space<hbm>>) dst(%arg13 : memref<128x128xf32, #tpu.memory_space<vmem>>)
        %dma_wait3A_126 = arith.constant 0 : i32
        %dma_wait3A_127 = tpu.memref_slice %arg10[%add3A_119, %dma_wait3A_126] : memref<64x128xi32, #tpu.memory_space<vmem>> -> memref<1x128xi32, #tpu.memory_space<vmem>>
        %dma_wait3A_128 = tpu.memref_squeeze %dma_wait3A_127 : memref<1x128xi32, #tpu.memory_space<vmem>> -> memref<128xi32, #tpu.memory_space<vmem>>
        %dma_wait3A_129 = arith.constant 0 : i32
        %dma_wait3A_130 = tpu.memref_slice %arg21[%dma_wait3A_129] : memref<50000xf32, #tpu.memory_space<vmem_shared>> -> memref<50000xf32, #tpu.memory_space<vmem_shared>>
        tpu.wait_indirect_dma semaphore(%arg25 : memref<!tpu.dma_semaphore, #tpu.memory_space<semaphore_mem>>) src(%dma_wait3A_130 : memref<50000xf32, #tpu.memory_space<vmem_shared>>) dst(%arg15 : memref<128xf32, #tpu.memory_space<vmem>>)
        %dma_start3A_131 = arith.constant 0 : i32
        %dma_start3A_132 = tpu.memref_slice %arg11[%add3A_119, %dma_start3A_131] : memref<64x128xi32, #tpu.memory_space<vmem>> -> memref<1x128xi32, #tpu.memory_space<vmem>>
        %dma_start3A_133 = tpu.memref_squeeze %dma_start3A_132 : memref<1x128xi32, #tpu.memory_space<vmem>> -> memref<128xi32, #tpu.memory_space<vmem>>
        %dma_start3A_134 = arith.constant 0 : i32
        %dma_start3A_135 = arith.constant 0 : i32
        %dma_start3A_136 = tpu.memref_slice %arg19[%dma_start3A_134, %dma_start3A_135] : memref<8192x128xf32, #tpu.memory_space<vmem_shared>> -> memref<8192x128xf32, #tpu.memory_space<vmem_shared>>
        tpu.enqueue_indirect_dma source(%arg13 : memref<128x128xf32, #tpu.memory_space<vmem>>) target(%dma_start3A_136 : memref<8192x128xf32, #tpu.memory_space<vmem_shared>>) offsets(%dma_start3A_133 : memref<128xi32, #tpu.memory_space<vmem>>) semaphore(%arg27 : memref<!tpu.dma_semaphore, #tpu.memory_space<semaphore_mem>>) {add = true}
        %dma_start3A_137 = arith.constant 0 : i32
        %dma_start3A_138 = tpu.memref_slice %arg11[%add3A_119, %dma_start3A_137] : memref<64x128xi32, #tpu.memory_space<vmem>> -> memref<1x128xi32, #tpu.memory_space<vmem>>
        %dma_start3A_139 = tpu.memref_squeeze %dma_start3A_138 : memref<1x128xi32, #tpu.memory_space<vmem>> -> memref<128xi32, #tpu.memory_space<vmem>>
        %dma_start3A_140 = arith.constant 0 : i32
        %dma_start3A_141 = tpu.memref_slice %arg20[%dma_start3A_140] : memref<8448xf32, #tpu.memory_space<vmem_shared>> -> memref<8448xf32, #tpu.memory_space<vmem_shared>>
        tpu.enqueue_indirect_dma source(%arg15 : memref<128xf32, #tpu.memory_space<vmem>>) target(%dma_start3A_141 : memref<8448xf32, #tpu.memory_space<vmem_shared>>) offsets(%dma_start3A_139 : memref<128xi32, #tpu.memory_space<vmem>>) semaphore(%arg29 : memref<!tpu.dma_semaphore, #tpu.memory_space<semaphore_mem>>) {add = true}
        %sub3A = arith.constant 1 : i32
        %sub3A_142 = arith.subi %add3A_119, %sub3A : i32
        %dma_wait3A_143 = arith.constant 0 : i32
        %dma_wait3A_144 = tpu.memref_slice %arg11[%sub3A_142, %dma_wait3A_143] : memref<64x128xi32, #tpu.memory_space<vmem>> -> memref<1x128xi32, #tpu.memory_space<vmem>>
        %dma_wait3A_145 = tpu.memref_squeeze %dma_wait3A_144 : memref<1x128xi32, #tpu.memory_space<vmem>> -> memref<128xi32, #tpu.memory_space<vmem>>
        %dma_wait3A_146 = arith.constant 0 : i32
        %dma_wait3A_147 = arith.constant 0 : i32
        %dma_wait3A_148 = tpu.memref_slice %arg19[%dma_wait3A_146, %dma_wait3A_147] : memref<8192x128xf32, #tpu.memory_space<vmem_shared>> -> memref<8192x128xf32, #tpu.memory_space<vmem_shared>>
        tpu.wait_indirect_dma semaphore(%arg26 : memref<!tpu.dma_semaphore, #tpu.memory_space<semaphore_mem>>) src(%arg12 : memref<128x128xf32, #tpu.memory_space<vmem>>) dst(%dma_wait3A_148 : memref<8192x128xf32, #tpu.memory_space<vmem_shared>>)
        %dma_wait3A_149 = arith.constant 0 : i32
        %dma_wait3A_150 = tpu.memref_slice %arg11[%sub3A_142, %dma_wait3A_149] : memref<64x128xi32, #tpu.memory_space<vmem>> -> memref<1x128xi32, #tpu.memory_space<vmem>>
        %dma_wait3A_151 = tpu.memref_squeeze %dma_wait3A_150 : memref<1x128xi32, #tpu.memory_space<vmem>> -> memref<128xi32, #tpu.memory_space<vmem>>
        %dma_wait3A_152 = arith.constant 0 : i32
        %dma_wait3A_153 = tpu.memref_slice %arg20[%dma_wait3A_152] : memref<8448xf32, #tpu.memory_space<vmem_shared>> -> memref<8448xf32, #tpu.memory_space<vmem_shared>>
        tpu.wait_indirect_dma semaphore(%arg28 : memref<!tpu.dma_semaphore, #tpu.memory_space<semaphore_mem>>) src(%arg14 : memref<128xf32, #tpu.memory_space<vmem>>) dst(%dma_wait3A_153 : memref<8448xf32, #tpu.memory_space<vmem_shared>>)
        %add3A_154 = arith.constant 1 : i32
        %add3A_155 = arith.addi %add3A_119, %add3A_154 : i32
        %lt3A_156 = arith.constant 64 : i32
        %lt3A_157 = arith.cmpi slt, %add3A_155, %lt3A_156 : i32
        %convert_element_type3A_158 = arith.extui %lt3A_157 : i1 to i32
        %cond3A_159 = arith.constant 0 : i32
        %cond3A_160 = arith.cmpi ne, %convert_element_type3A_158, %cond3A_159 : i32
        scf.if %cond3A_160 {
          %add3A_162 = arith.constant 1 : i32
          %add3A_163 = arith.addi %add3A_119, %add3A_162 : i32
          %dma_start3A_164 = arith.constant 0 : i32
          %dma_start3A_165 = tpu.memref_slice %arg10[%add3A_163, %dma_start3A_164] : memref<64x128xi32, #tpu.memory_space<vmem>> -> memref<1x128xi32, #tpu.memory_space<vmem>>
          %dma_start3A_166 = tpu.memref_squeeze %dma_start3A_165 : memref<1x128xi32, #tpu.memory_space<vmem>> -> memref<128xi32, #tpu.memory_space<vmem>>
          %dma_start3A_167 = arith.constant 0 : i32
          %dma_start3A_168 = arith.constant 0 : i32
          %dma_start3A_169 = tpu.memref_slice %arg3[%dma_start3A_167, %dma_start3A_168] : memref<50000x128xf32, #tpu.memory_space<hbm>> -> memref<50000x128xf32, #tpu.memory_space<hbm>>
          tpu.enqueue_indirect_dma source(%dma_start3A_169 : memref<50000x128xf32, #tpu.memory_space<hbm>>) target(%arg12 : memref<128x128xf32, #tpu.memory_space<vmem>>) offsets(%dma_start3A_166 : memref<128xi32, #tpu.memory_space<vmem>>) semaphore(%arg22 : memref<!tpu.dma_semaphore, #tpu.memory_space<semaphore_mem>>)
          %dma_start3A_170 = arith.constant 0 : i32
          %dma_start3A_171 = tpu.memref_slice %arg10[%add3A_163, %dma_start3A_170] : memref<64x128xi32, #tpu.memory_space<vmem>> -> memref<1x128xi32, #tpu.memory_space<vmem>>
          %dma_start3A_172 = tpu.memref_squeeze %dma_start3A_171 : memref<1x128xi32, #tpu.memory_space<vmem>> -> memref<128xi32, #tpu.memory_space<vmem>>
          %dma_start3A_173 = arith.constant 0 : i32
          %dma_start3A_174 = tpu.memref_slice %arg21[%dma_start3A_173] : memref<50000xf32, #tpu.memory_space<vmem_shared>> -> memref<50000xf32, #tpu.memory_space<vmem_shared>>
          tpu.enqueue_indirect_dma source(%dma_start3A_174 : memref<50000xf32, #tpu.memory_space<vmem_shared>>) target(%arg14 : memref<128xf32, #tpu.memory_space<vmem>>) offsets(%dma_start3A_172 : memref<128xi32, #tpu.memory_space<vmem>>) semaphore(%arg24 : memref<!tpu.dma_semaphore, #tpu.memory_space<semaphore_mem>>)
        } else {
        }
        %scan3A_161 = arith.constant 0 : i32
        scf.yield %scan3A_161 : i32
      }
      %scan3A_56 = arith.constant 32 : i32
      %dma_wait3A = arith.constant 63 : i32
      %dma_wait3A_57 = arith.constant 0 : i32
      %dma_wait3A_58 = tpu.memref_slice %arg11[%dma_wait3A, %dma_wait3A_57] : memref<64x128xi32, #tpu.memory_space<vmem>> -> memref<1x128xi32, #tpu.memory_space<vmem>>
      %dma_wait3A_59 = tpu.memref_squeeze %dma_wait3A_58 : memref<1x128xi32, #tpu.memory_space<vmem>> -> memref<128xi32, #tpu.memory_space<vmem>>
      %dma_wait3A_60 = arith.constant 0 : i32
      %dma_wait3A_61 = arith.constant 0 : i32
      %dma_wait3A_62 = tpu.memref_slice %arg19[%dma_wait3A_60, %dma_wait3A_61] : memref<8192x128xf32, #tpu.memory_space<vmem_shared>> -> memref<8192x128xf32, #tpu.memory_space<vmem_shared>>
      tpu.wait_indirect_dma semaphore(%arg27 : memref<!tpu.dma_semaphore, #tpu.memory_space<semaphore_mem>>) src(%arg13 : memref<128x128xf32, #tpu.memory_space<vmem>>) dst(%dma_wait3A_62 : memref<8192x128xf32, #tpu.memory_space<vmem_shared>>)
      %dma_wait3A_63 = arith.constant 63 : i32
      %dma_wait3A_64 = arith.constant 0 : i32
      %dma_wait3A_65 = tpu.memref_slice %arg11[%dma_wait3A_63, %dma_wait3A_64] : memref<64x128xi32, #tpu.memory_space<vmem>> -> memref<1x128xi32, #tpu.memory_space<vmem>>
      %dma_wait3A_66 = tpu.memref_squeeze %dma_wait3A_65 : memref<1x128xi32, #tpu.memory_space<vmem>> -> memref<128xi32, #tpu.memory_space<vmem>>
      %dma_wait3A_67 = arith.constant 0 : i32
      %dma_wait3A_68 = tpu.memref_slice %arg20[%dma_wait3A_67] : memref<8448xf32, #tpu.memory_space<vmem_shared>> -> memref<8448xf32, #tpu.memory_space<vmem_shared>>
      tpu.wait_indirect_dma semaphore(%arg29 : memref<!tpu.dma_semaphore, #tpu.memory_space<semaphore_mem>>) src(%arg15 : memref<128xf32, #tpu.memory_space<vmem>>) dst(%dma_wait3A_68 : memref<8448xf32, #tpu.memory_space<vmem_shared>>)
      %barrier3A_69 = arith.constant 0 : index
      tpu.barrier barrier_id(%barrier3A_69)
      %mul3A_70 = arith.constant 512 : i32
      %mul3A_71 = arith.muli %arg1, %mul3A_70 : i32
      "tpu.region"() ({
        %run_scoped3A = tpu.sem_alloc : memref<!tpu.dma_semaphore, #tpu.memory_space<semaphore_mem>>
        %dma_start3A_79 = arith.constant 0 : i32
        %dma_start3A_80 = tpu.memref_slice %arg17[%dma_start3A_79] : memref<528xf32, #tpu.memory_space<vmem>> -> memref<512xf32, #tpu.memory_space<vmem>>
        %dma_start3A_81 = tpu.memref_slice %arg20[%mul3A_71] : memref<8448xf32, #tpu.memory_space<vmem_shared>> -> memref<512xf32, #tpu.memory_space<vmem_shared>>
        %dma_start3A_82 = arith.constant 0 : i32
        %dma_start3A_83 = tpu.memref_slice %arg17[%dma_start3A_82] : memref<528xf32, #tpu.memory_space<vmem>> -> memref<512xf32, #tpu.memory_space<vmem>>
        %dma_start3A_84 = tpu.memref_slice %arg20[%mul3A_71] : memref<8448xf32, #tpu.memory_space<vmem_shared>> -> memref<512xf32, #tpu.memory_space<vmem_shared>>
        tpu.enqueue_dma source(%dma_start3A_84 : memref<512xf32, #tpu.memory_space<vmem_shared>>) target(%dma_start3A_83 : memref<512xf32, #tpu.memory_space<vmem>>) target_semaphore(%run_scoped3A : memref<!tpu.dma_semaphore, #tpu.memory_space<semaphore_mem>>)
        %dma_wait3A_85 = arith.constant 0 : i32
        %dma_wait3A_86 = tpu.memref_slice %arg17[%dma_wait3A_85] : memref<528xf32, #tpu.memory_space<vmem>> -> memref<512xf32, #tpu.memory_space<vmem>>
        %dma_wait3A_87 = tpu.memref_slice %arg20[%mul3A_71] : memref<8448xf32, #tpu.memory_space<vmem_shared>> -> memref<512xf32, #tpu.memory_space<vmem_shared>>
        %dma_wait3A_88 = arith.constant 0 : i32
        %dma_wait3A_89 = tpu.memref_slice %arg17[%dma_wait3A_88] : memref<528xf32, #tpu.memory_space<vmem>> -> memref<512xf32, #tpu.memory_space<vmem>>
        %dma_wait3A_90 = tpu.memref_slice %arg20[%mul3A_71] : memref<8448xf32, #tpu.memory_space<vmem_shared>> -> memref<512xf32, #tpu.memory_space<vmem_shared>>
        tpu.wait_dma2 semaphore(%run_scoped3A : memref<!tpu.dma_semaphore, #tpu.memory_space<semaphore_mem>>) src(%dma_wait3A_90 : memref<512xf32, #tpu.memory_space<vmem_shared>>) dst(%dma_wait3A_89 : memref<512xf32, #tpu.memory_space<vmem>>)
        tpu.yield
      }) : () -> ()
      %scan3A_72 = arith.constant 0 : i32
      %scan3A_73 = arith.constant 0 : i32
      %scan3A_74 = arith.constant 32 : i32
      %scan3A_75 = arith.addi %scan3A_73, %scan3A_74 : i32
      %scan3A_76 = arith.constant 1 : i32
      %scan3A_77 = scf.for %scan3A_79 = %scan3A_73 to %scan3A_75 step %scan3A_76 iter_args(%scan3A_80 = %scan3A_72) -> (i32)  : i32 {
        %mul3A_81 = arith.constant 512 : i32
        %mul3A_82 = arith.muli %arg1, %mul3A_81 : i32
        %mul3A_83 = arith.constant 16 : i32
        %mul3A_84 = arith.muli %scan3A_79, %mul3A_83 : i32
        %add3A = arith.addi %mul3A_82, %mul3A_84 : i32
        "tpu.region"() ({
          %run_scoped3A = tpu.sem_alloc : memref<!tpu.dma_semaphore, #tpu.memory_space<semaphore_mem>>
          %dma_start3A_93 = arith.constant 0 : i32
          %dma_start3A_94 = arith.constant 0 : i32
          %dma_start3A_95 = tpu.memref_slice %arg12[%dma_start3A_93, %dma_start3A_94] : memref<128x128xf32, #tpu.memory_space<vmem>> -> memref<16x128xf32, #tpu.memory_space<vmem>>
          %dma_start3A_96 = arith.constant 0 : i32
          %dma_start3A_97 = tpu.memref_slice %arg19[%add3A, %dma_start3A_96] : memref<8192x128xf32, #tpu.memory_space<vmem_shared>> -> memref<16x128xf32, #tpu.memory_space<vmem_shared>>
          %dma_start3A_98 = arith.constant 0 : i32
          %dma_start3A_99 = arith.constant 0 : i32
          %dma_start3A_100 = tpu.memref_slice %arg12[%dma_start3A_98, %dma_start3A_99] : memref<128x128xf32, #tpu.memory_space<vmem>> -> memref<16x128xf32, #tpu.memory_space<vmem>>
          %dma_start3A_101 = arith.constant 0 : i32
          %dma_start3A_102 = tpu.memref_slice %arg19[%add3A, %dma_start3A_101] : memref<8192x128xf32, #tpu.memory_space<vmem_shared>> -> memref<16x128xf32, #tpu.memory_space<vmem_shared>>
          tpu.enqueue_dma source(%dma_start3A_102 : memref<16x128xf32, #tpu.memory_space<vmem_shared>>) target(%dma_start3A_100 : memref<16x128xf32, #tpu.memory_space<vmem>>) target_semaphore(%run_scoped3A : memref<!tpu.dma_semaphore, #tpu.memory_space<semaphore_mem>>)
          %dma_wait3A_103 = arith.constant 0 : i32
          %dma_wait3A_104 = arith.constant 0 : i32
          %dma_wait3A_105 = tpu.memref_slice %arg12[%dma_wait3A_103, %dma_wait3A_104] : memref<128x128xf32, #tpu.memory_space<vmem>> -> memref<16x128xf32, #tpu.memory_space<vmem>>
          %dma_wait3A_106 = arith.constant 0 : i32
          %dma_wait3A_107 = tpu.memref_slice %arg19[%add3A, %dma_wait3A_106] : memref<8192x128xf32, #tpu.memory_space<vmem_shared>> -> memref<16x128xf32, #tpu.memory_space<vmem_shared>>
          %dma_wait3A_108 = arith.constant 0 : i32
          %dma_wait3A_109 = arith.constant 0 : i32
          %dma_wait3A_110 = tpu.memref_slice %arg12[%dma_wait3A_108, %dma_wait3A_109] : memref<128x128xf32, #tpu.memory_space<vmem>> -> memref<16x128xf32, #tpu.memory_space<vmem>>
          %dma_wait3A_111 = arith.constant 0 : i32
          %dma_wait3A_112 = tpu.memref_slice %arg19[%add3A, %dma_wait3A_111] : memref<8192x128xf32, #tpu.memory_space<vmem_shared>> -> memref<16x128xf32, #tpu.memory_space<vmem_shared>>
          tpu.wait_dma2 semaphore(%run_scoped3A : memref<!tpu.dma_semaphore, #tpu.memory_space<semaphore_mem>>) src(%dma_wait3A_112 : memref<16x128xf32, #tpu.memory_space<vmem_shared>>) dst(%dma_wait3A_110 : memref<16x128xf32, #tpu.memory_space<vmem>>)
          tpu.yield
        }) : () -> ()
        %scan3A_85 = arith.constant 0 : i32
        %scan3A_86 = arith.constant 0 : i32
        %scan3A_87 = arith.constant 16 : i32
        %scan3A_88 = arith.addi %scan3A_86, %scan3A_87 : i32
        %scan3A_89 = arith.constant 1 : i32
        %scan3A_90 = scf.for %scan3A_93 = %scan3A_86 to %scan3A_88 step %scan3A_89 iter_args(%scan3A_94 = %scan3A_85) -> (i32)  : i32 {
          %mul3A_95 = arith.constant 16 : i32
          %mul3A_96 = arith.muli %scan3A_79, %mul3A_95 : i32
          %add3A_97 = arith.addi %mul3A_96, %scan3A_93 : i32
          %get3A = arith.index_cast %add3A_97 : i32 to index
          %get3A_98 = tpu.vector_load %arg17[%get3A] {strides = array<i32>} : memref<528xf32, #tpu.memory_space<vmem>>, vector<16xf32>,
          %get3A_99 = vector.shape_cast %get3A_98 : vector<16xf32> to vector<16xf32>
          %slice3A = vector.extract_strided_slice %get3A_99 {offsets = [0], sizes = [1], strides = [1]} : vector<16xf32> to vector<1xf32>
          %squeeze3A = vector.extract %slice3A[0] : f32 from vector<1xf32>
          %add3A_100 = arith.constant 1.000000e-30 : f32
          %add3A_101 = arith.addf %squeeze3A, %add3A_100 : f32
          %add3A_102 = vector.broadcast %add3A_101 : f32 to vector<16xf32>
          %add3A_103 = arith.addf %broadcast_in_dim3A_7, %add3A_102 : vector<16xf32>
          %scan3A_104 = arith.constant 0 : i32
          %scan3A_105 = arith.constant 0 : i32
          %scan3A_106 = arith.constant 8 : i32
          %scan3A_107 = arith.addi %scan3A_105, %scan3A_106 : i32
          %scan3A_108 = arith.constant 1 : i32
          %scan3A_109 = scf.for %scan3A_112 = %scan3A_105 to %scan3A_107 step %scan3A_108 iter_args(%scan3A_113 = %scan3A_104) -> (i32)  : i32 {
            %mul3A_114 = arith.constant 16 : i32
            %mul3A_115 = arith.muli %scan3A_112, %mul3A_114 : i32
            %get3A_116 = arith.index_cast %scan3A_93 : i32 to index
            %get3A_117 = arith.index_cast %mul3A_115 : i32 to index
            %get3A_118 = tpu.vector_load %arg12[%get3A_116, %get3A_117] {strides = array<i32>} : memref<128x128xf32, #tpu.memory_space<vmem>>, vector<1x16xf32>,
            %get3A_119 = vector.shape_cast %get3A_118 : vector<1x16xf32> to vector<16xf32>
            %div3A = arith.divf %get3A_119, %add3A_103 : vector<16xf32>
            %mul3A_120 = arith.constant 16 : i32
            %mul3A_121 = arith.muli %scan3A_112, %mul3A_120 : i32
            %swap3A = arith.index_cast %scan3A_93 : i32 to index
            %swap3A_122 = arith.index_cast %mul3A_121 : i32 to index
            %swap3A_123 = tpu.vector_load %arg18[%swap3A, %swap3A_122] {strides = array<i32>} : memref<16x128xf32, #tpu.memory_space<vmem>>, vector<1x16xf32>,
            %swap3A_124 = vector.shape_cast %swap3A_123 : vector<1x16xf32> to vector<16xf32>
            %swap3A_125 = vector.shape_cast %div3A : vector<16xf32> to vector<1x16xf32>
            tpu.vector_store %arg18[%swap3A, %swap3A_122], %swap3A_125 {strides = array<i32>} : memref<16x128xf32, #tpu.memory_space<vmem>>, vector<1x16xf32>,
            %scan3A_126 = arith.constant 0 : i32
            scf.yield %scan3A_126 : i32
          }
          %scan3A_110 = arith.constant 8 : i32
          %scan3A_111 = arith.constant 0 : i32
          scf.yield %scan3A_111 : i32
        }
        %scan3A_91 = arith.constant 16 : i32
        "tpu.region"() ({
          %run_scoped3A = tpu.sem_alloc : memref<!tpu.dma_semaphore, #tpu.memory_space<semaphore_mem>>
          %dma_start3A_93 = arith.constant 0 : i32
          %dma_start3A_94 = tpu.memref_slice %arg9[%add3A, %dma_start3A_93] : memref<8192x128xf32, #tpu.memory_space<hbm>> -> memref<16x128xf32, #tpu.memory_space<hbm>>
          %dma_start3A_95 = arith.constant 0 : i32
          %dma_start3A_96 = tpu.memref_slice %arg9[%add3A, %dma_start3A_95] : memref<8192x128xf32, #tpu.memory_space<hbm>> -> memref<16x128xf32, #tpu.memory_space<hbm>>
          tpu.enqueue_dma source(%arg18 : memref<16x128xf32, #tpu.memory_space<vmem>>) target(%dma_start3A_96 : memref<16x128xf32, #tpu.memory_space<hbm>>) target_semaphore(%run_scoped3A : memref<!tpu.dma_semaphore, #tpu.memory_space<semaphore_mem>>)
          %dma_wait3A_97 = arith.constant 0 : i32
          %dma_wait3A_98 = tpu.memref_slice %arg9[%add3A, %dma_wait3A_97] : memref<8192x128xf32, #tpu.memory_space<hbm>> -> memref<16x128xf32, #tpu.memory_space<hbm>>
          %dma_wait3A_99 = arith.constant 0 : i32
          %dma_wait3A_100 = tpu.memref_slice %arg9[%add3A, %dma_wait3A_99] : memref<8192x128xf32, #tpu.memory_space<hbm>> -> memref<16x128xf32, #tpu.memory_space<hbm>>
          tpu.wait_dma2 semaphore(%run_scoped3A : memref<!tpu.dma_semaphore, #tpu.memory_space<semaphore_mem>>) src(%arg18 : memref<16x128xf32, #tpu.memory_space<vmem>>) dst(%dma_wait3A_100 : memref<16x128xf32, #tpu.memory_space<hbm>>)
          tpu.yield
        }) : () -> ()
        %scan3A_92 = arith.constant 0 : i32
        scf.yield %scan3A_92 : i32
      }
      %scan3A_78 = arith.constant 32 : i32
    } else {
    }
    return
  }
}

module attributes {stable_mosaic.version = 14 : i64} {
  func.func @_tc_body(%arg0: i32, %arg1: memref<512x128xf32, #tpu.memory_space<vmem>>, %arg2: memref<512x128xf32, #tpu.memory_space<vmem>>, %arg3: memref<128x128xf32, #tpu.memory_space<vmem>>, %arg4: memref<1x128xf32, #tpu.memory_space<vmem>>, %arg5: memref<128x128xf32, #tpu.memory_space<vmem>>, %arg6: memref<1x128xf32, #tpu.memory_space<vmem>>, %arg7: memref<128x1xf32, #tpu.memory_space<vmem>>, %arg8: memref<128x1xf32, #tpu.memory_space<vmem>>, %arg9: memref<512x128xf32, #tpu.memory_space<vmem>>, %arg10: memref<512x128xf32, #tpu.memory_space<vmem>>, %arg11: memref<512x128xf32, #tpu.memory_space<vmem>>, %arg12: memref<512x128xf32, #tpu.memory_space<vmem>>, %arg13: memref<512x1xf32, #tpu.memory_space<vmem>>, %arg14: memref<512x1xf32, #tpu.memory_space<vmem>>) attributes {dimension_semantics = [#tpu.dimension_semantics<arbitrary>], iteration_bounds = array<i64: 98>, scalar_prefetch = 0 : i64, scratch_operands = 0 : i64, tpu.core_type = #tpu.core_type<tc>, window_params = [{transform_indices = @transform_0, window_bounds = array<i64: 512, 128>}, {transform_indices = @transform_1, window_bounds = array<i64: 512, 128>}, {pipeline_mode = #tpu.pipeline_mode<synchronous>, transform_indices = @transform_2, window_bounds = array<i64: 128, 128>}, {pipeline_mode = #tpu.pipeline_mode<synchronous>, transform_indices = @transform_3, window_bounds = array<i64: 1, 128>}, {pipeline_mode = #tpu.pipeline_mode<synchronous>, transform_indices = @transform_4, window_bounds = array<i64: 128, 128>}, {pipeline_mode = #tpu.pipeline_mode<synchronous>, transform_indices = @transform_5, window_bounds = array<i64: 1, 128>}, {pipeline_mode = #tpu.pipeline_mode<synchronous>, transform_indices = @transform_6, window_bounds = array<i64: 128, 1>}, {pipeline_mode = #tpu.pipeline_mode<synchronous>, transform_indices = @transform_7, window_bounds = array<i64: 128, 1>}, {transform_indices = @transform_8, window_bounds = array<i64: 512, 128>}, {transform_indices = @transform_9, window_bounds = array<i64: 512, 128>}, {transform_indices = @transform_10, window_bounds = array<i64: 512, 128>}, {transform_indices = @transform_11, window_bounds = array<i64: 512, 128>}, {transform_indices = @transform_12, window_bounds = array<i64: 512, 1>}, {transform_indices = @transform_13, window_bounds = array<i64: 512, 1>}]} {
    %get3A = arith.constant 0 : index
    %get3A_0 = arith.constant 0 : index
    %get3A_1 = vector.load %arg1[%get3A, %get3A_0] : memref<512x128xf32, #tpu.memory_space<vmem>>, vector<512x128xf32>
    %get3A_2 = arith.constant 0 : index
    %get3A_3 = arith.constant 0 : index
    %get3A_4 = vector.load %arg3[%get3A_2, %get3A_3] : memref<128x128xf32, #tpu.memory_space<vmem>>, vector<128x128xf32>
    %dot_general3A = arith.constant dense<0.000000e+00> : vector<512x128xf32>
    %dot_general3A_5 = tpu.matmul %get3A_1, %get3A_4, %dot_general3A {dimension_numbers = #tpu.dot_dimension_numbers<[1], [0], [0], [1], [0, 0, 1, 1], [], []>, transpose_lhs_hint = false} : vector<512x128xf32>, vector<128x128xf32>, vector<512x128xf32> -> vector<512x128xf32>
    %get3A_6 = arith.constant 0 : index
    %get3A_7 = arith.constant 0 : index
    %get3A_8 = vector.load %arg4[%get3A_6, %get3A_7] : memref<1x128xf32, #tpu.memory_space<vmem>>, vector<1x128xf32>
    %add3A = vector.broadcast %get3A_8 : vector<1x128xf32> to vector<512x128xf32>
    %add3A_9 = arith.addf %dot_general3A_5, %add3A : vector<512x128xf32>
    %max3A = arith.constant 0.000000e+00 : f32
    %max3A_10 = vector.broadcast %max3A : f32 to vector<512x128xf32>
    %max3A_11 = arith.maximumf %add3A_9, %max3A_10 : vector<512x128xf32>
    %add3A_12 = arith.addf %get3A_1, %max3A_11 : vector<512x128xf32>
    %swap3A = arith.constant 0 : index
    %swap3A_13 = arith.constant 0 : index
    %swap3A_14 = vector.load %arg9[%swap3A, %swap3A_13] : memref<512x128xf32, #tpu.memory_space<vmem>>, vector<512x128xf32>
    tpu.vector_store %arg9[%swap3A, %swap3A_13], %add3A_12 {strides = array<i32>} : memref<512x128xf32, #tpu.memory_space<vmem>>, vector<512x128xf32>,
    %get3A_15 = arith.constant 0 : index
    %get3A_16 = arith.constant 0 : index
    %get3A_17 = vector.load %arg7[%get3A_15, %get3A_16] : memref<128x1xf32, #tpu.memory_space<vmem>>, vector<128x1xf32>
    %dot_general3A_18 = arith.constant dense<0.000000e+00> : vector<512x1xf32>
    %dot_general3A_19 = tpu.matmul %add3A_12, %get3A_17, %dot_general3A_18 {dimension_numbers = #tpu.dot_dimension_numbers<[1], [0], [0], [1], [0, 0, 1, 1], [], []>, transpose_lhs_hint = false} : vector<512x128xf32>, vector<128x1xf32>, vector<512x1xf32> -> vector<512x1xf32>
    %exp3A = math.exp %dot_general3A_19 : vector<512x1xf32>
    %mul3A = vector.broadcast %exp3A : vector<512x1xf32> to vector<512x128xf32>
    %mul3A_20 = arith.mulf %add3A_12, %mul3A : vector<512x128xf32>
    %swap3A_21 = arith.constant 0 : index
    %swap3A_22 = arith.constant 0 : index
    %swap3A_23 = vector.load %arg11[%swap3A_21, %swap3A_22] : memref<512x128xf32, #tpu.memory_space<vmem>>, vector<512x128xf32>
    tpu.vector_store %arg11[%swap3A_21, %swap3A_22], %mul3A_20 {strides = array<i32>} : memref<512x128xf32, #tpu.memory_space<vmem>>, vector<512x128xf32>,
    %swap3A_24 = arith.constant 0 : index
    %swap3A_25 = arith.constant 0 : index
    %swap3A_26 = vector.load %arg13[%swap3A_24, %swap3A_25] : memref<512x1xf32, #tpu.memory_space<vmem>>, vector<512x1xf32>
    tpu.vector_store %arg13[%swap3A_24, %swap3A_25], %exp3A {strides = array<i32>} : memref<512x1xf32, #tpu.memory_space<vmem>>, vector<512x1xf32>,
    %get3A_27 = arith.constant 0 : index
    %get3A_28 = arith.constant 0 : index
    %get3A_29 = vector.load %arg2[%get3A_27, %get3A_28] : memref<512x128xf32, #tpu.memory_space<vmem>>, vector<512x128xf32>
    %get3A_30 = arith.constant 0 : index
    %get3A_31 = arith.constant 0 : index
    %get3A_32 = vector.load %arg5[%get3A_30, %get3A_31] : memref<128x128xf32, #tpu.memory_space<vmem>>, vector<128x128xf32>
    %dot_general3A_33 = arith.constant dense<0.000000e+00> : vector<512x128xf32>
    %dot_general3A_34 = tpu.matmul %get3A_29, %get3A_32, %dot_general3A_33 {dimension_numbers = #tpu.dot_dimension_numbers<[1], [0], [0], [1], [0, 0, 1, 1], [], []>, transpose_lhs_hint = false} : vector<512x128xf32>, vector<128x128xf32>, vector<512x128xf32> -> vector<512x128xf32>
    %get3A_35 = arith.constant 0 : index
    %get3A_36 = arith.constant 0 : index
    %get3A_37 = vector.load %arg6[%get3A_35, %get3A_36] : memref<1x128xf32, #tpu.memory_space<vmem>>, vector<1x128xf32>
    %add3A_38 = vector.broadcast %get3A_37 : vector<1x128xf32> to vector<512x128xf32>
    %add3A_39 = arith.addf %dot_general3A_34, %add3A_38 : vector<512x128xf32>
    %max3A_40 = arith.constant 0.000000e+00 : f32
    %max3A_41 = vector.broadcast %max3A_40 : f32 to vector<512x128xf32>
    %max3A_42 = arith.maximumf %add3A_39, %max3A_41 : vector<512x128xf32>
    %add3A_43 = arith.addf %get3A_29, %max3A_42 : vector<512x128xf32>
    %swap3A_44 = arith.constant 0 : index
    %swap3A_45 = arith.constant 0 : index
    %swap3A_46 = vector.load %arg10[%swap3A_44, %swap3A_45] : memref<512x128xf32, #tpu.memory_space<vmem>>, vector<512x128xf32>
    tpu.vector_store %arg10[%swap3A_44, %swap3A_45], %add3A_43 {strides = array<i32>} : memref<512x128xf32, #tpu.memory_space<vmem>>, vector<512x128xf32>,
    %get3A_47 = arith.constant 0 : index
    %get3A_48 = arith.constant 0 : index
    %get3A_49 = vector.load %arg8[%get3A_47, %get3A_48] : memref<128x1xf32, #tpu.memory_space<vmem>>, vector<128x1xf32>
    %dot_general3A_50 = arith.constant dense<0.000000e+00> : vector<512x1xf32>
    %dot_general3A_51 = tpu.matmul %add3A_43, %get3A_49, %dot_general3A_50 {dimension_numbers = #tpu.dot_dimension_numbers<[1], [0], [0], [1], [0, 0, 1, 1], [], []>, transpose_lhs_hint = false} : vector<512x128xf32>, vector<128x1xf32>, vector<512x1xf32> -> vector<512x1xf32>
    %exp3A_52 = math.exp %dot_general3A_51 : vector<512x1xf32>
    %mul3A_53 = vector.broadcast %exp3A_52 : vector<512x1xf32> to vector<512x128xf32>
    %mul3A_54 = arith.mulf %add3A_43, %mul3A_53 : vector<512x128xf32>
    %swap3A_55 = arith.constant 0 : index
    %swap3A_56 = arith.constant 0 : index
    %swap3A_57 = vector.load %arg12[%swap3A_55, %swap3A_56] : memref<512x128xf32, #tpu.memory_space<vmem>>, vector<512x128xf32>
    tpu.vector_store %arg12[%swap3A_55, %swap3A_56], %mul3A_54 {strides = array<i32>} : memref<512x128xf32, #tpu.memory_space<vmem>>, vector<512x128xf32>,
    %swap3A_58 = arith.constant 0 : index
    %swap3A_59 = arith.constant 0 : index
    %swap3A_60 = vector.load %arg14[%swap3A_58, %swap3A_59] : memref<512x1xf32, #tpu.memory_space<vmem>>, vector<512x1xf32>
    tpu.vector_store %arg14[%swap3A_58, %swap3A_59], %exp3A_52 {strides = array<i32>} : memref<512x1xf32, #tpu.memory_space<vmem>>, vector<512x1xf32>,
    return
  }
  func.func @transform_0(%arg0: i32) -> (i32, i32) {
    %c0_i32 = arith.constant 0 : i32
    %c0_i32_0 = arith.constant 0 : i32
    return %arg0, %c0_i32 : i32, i32
  }
  func.func @transform_1(%arg0: i32) -> (i32, i32) {
    %c0_i32 = arith.constant 0 : i32
    %c0_i32_0 = arith.constant 0 : i32
    return %arg0, %c0_i32 : i32, i32
  }
  func.func @transform_2(%arg0: i32) -> (i32, i32) {
    %c0_i32 = arith.constant 0 : i32
    %c0_i32_0 = arith.constant 0 : i32
    %c0_i32_1 = arith.constant 0 : i32
    return %c0_i32, %c0_i32_0 : i32, i32
  }
  func.func @transform_3(%arg0: i32) -> (i32, i32) {
    %c0_i32 = arith.constant 0 : i32
    %c0_i32_0 = arith.constant 0 : i32
    %c0_i32_1 = arith.constant 0 : i32
    return %c0_i32, %c0_i32_0 : i32, i32
  }
  func.func @transform_4(%arg0: i32) -> (i32, i32) {
    %c0_i32 = arith.constant 0 : i32
    %c0_i32_0 = arith.constant 0 : i32
    %c0_i32_1 = arith.constant 0 : i32
    return %c0_i32, %c0_i32_0 : i32, i32
  }
  func.func @transform_5(%arg0: i32) -> (i32, i32) {
    %c0_i32 = arith.constant 0 : i32
    %c0_i32_0 = arith.constant 0 : i32
    %c0_i32_1 = arith.constant 0 : i32
    return %c0_i32, %c0_i32_0 : i32, i32
  }
  func.func @transform_6(%arg0: i32) -> (i32, i32) {
    %c0_i32 = arith.constant 0 : i32
    %c0_i32_0 = arith.constant 0 : i32
    %c0_i32_1 = arith.constant 0 : i32
    return %c0_i32, %c0_i32_0 : i32, i32
  }
  func.func @transform_7(%arg0: i32) -> (i32, i32) {
    %c0_i32 = arith.constant 0 : i32
    %c0_i32_0 = arith.constant 0 : i32
    %c0_i32_1 = arith.constant 0 : i32
    return %c0_i32, %c0_i32_0 : i32, i32
  }
  func.func @transform_8(%arg0: i32) -> (i32, i32) {
    %c0_i32 = arith.constant 0 : i32
    %c0_i32_0 = arith.constant 0 : i32
    return %arg0, %c0_i32 : i32, i32
  }
  func.func @transform_9(%arg0: i32) -> (i32, i32) {
    %c0_i32 = arith.constant 0 : i32
    %c0_i32_0 = arith.constant 0 : i32
    return %arg0, %c0_i32 : i32, i32
  }
  func.func @transform_10(%arg0: i32) -> (i32, i32) {
    %c0_i32 = arith.constant 0 : i32
    %c0_i32_0 = arith.constant 0 : i32
    return %arg0, %c0_i32 : i32, i32
  }
  func.func @transform_11(%arg0: i32) -> (i32, i32) {
    %c0_i32 = arith.constant 0 : i32
    %c0_i32_0 = arith.constant 0 : i32
    return %arg0, %c0_i32 : i32, i32
  }
  func.func @transform_12(%arg0: i32) -> (i32, i32) {
    %c0_i32 = arith.constant 0 : i32
    %c0_i32_0 = arith.constant 0 : i32
    return %arg0, %c0_i32 : i32, i32
  }
  func.func @transform_13(%arg0: i32) -> (i32, i32) {
    %c0_i32 = arith.constant 0 : i32
    %c0_i32_0 = arith.constant 0 : i32
    return %arg0, %c0_i32 : i32, i32
  }
}

</mosaic_0001>

<sc_bundles>
// kernel: kernel.4.cloned.1.call-start
scs
__scs_entry_jumppad:
0x0: {  	(pc) =	sbr.rel $0x88, $3  }
0x1: {  	(tag) =	ssettag $0x0;
	lr =	simm.s32 $0x1  }
0x2: {  	[smem:$0x3F97] =	sst lr;
	_ =	strace $0xD0000000  }
0x3: {  	_ = 	snop  }
0x4: {  	_ = 	snop  }
0x5: {  	_ = 	snop  }
0x6: {  	_ = 	snop  }
0x7: {  	_ = 	snop  }
__scs_overlays_trampoline_lowered:
0x8: {  	[smem:$0x3FA6] =	sst s0  }
0x9: {  	[smem:$0x3FA7] =	sst s1  }
0xa: {  	[smem:$0x3FA8] =	sst s2  }
0xb: {  	[smem:$0x3FA9] =	sst s3  }
0xc: {  	[smem:$0x3FAA] =	sst s4  }
0xd: {  	[smem:$0x3FAB] =	sst s5  }
0xe: {  	[smem:$0x3FAC] =	sst s6  }
0xf: {  	[smem:$0x3FAD] =	sst s7  }
0x10: {  	[smem:$0x3FAE] =	sst s8  }
0x11: {  	[smem:$0x3FAF] =	sst s9;
	s0 =	simm.s32 @!p0 $0x0  }
0x12: {  	s1 =	sld [smem:$0x3F95];
	s0 =	simm.s32 @p0 $0x1  }
0x13: {  	[smem:$0x3FB0] =	sst s0;
	s0 =	simm.s32 @!p1 $0x0  }
0x14: {  	s2 =	sld [smem:$0x3F94];
	s0 =	simm.s32 @p1 $0x1  }
0x15: {  	[smem:$0x3FB1] =	sst s0;
	s0 =	simm.s32 @!p2 $0x0  }
0x16: {  	s3 =	sld [smem:$0x3FDB];
	s0 =	simm.s32 @p2 $0x1  }
0x17: {  	s4 =	simm.s32 $0x1BF5;
	[smem:$0x3FB3] =	sst s0  }
0x18: {  	s0 =	sld [smem:$0x3F96];
	_ =	swait.ge [sflag:s4], $0x0  }
0x19: {  	s7 =	sld [smem:$0x3F97]  }
0x1a: {  	s8 =	sadd.s32 $0xFFFFE003, lr  }
0x1b: {  	s9 =	sadd.s32 $0xFFFFFEF7, lr;
	s5 =	simm.s32 $0xFFFFFFFF;
	p2 =	slt.u32 s8, $0xFFFFF086  }
0x1c: {  	p1 =	slt.u32 s9, $0xF7A;
	s5 =	simm.s32 @!p2 $0x0  }
0x1d: {  	s5 =	simm.s32 @p1 $0x1;
	p0 =	seq.s32 s7, s2  }
0x1e: {  	s7 =	smul.u32 @!p0 $0xF7A, s2;
	p2 =	seq.s32 @!p0 s5, $0x0  }
0x1f: {  	s9 =	smul.u32 $0xF7A, s1;
	s8 =	simm.s32 @!p0 $0x1BF5;
	p2 =	por !p2, p0  }
0x20: {  	[sflag:s8] =	ssyncset.s32 @!p0 $0xFFFFF086;
	s6 =	sadd.s32 @!p0 s3, s7;
	s7 =	simm.s32 @!p0 $0x108  }
0x21: {  	s3 =	sadd.s32 s3, s9;
	s6 =	sadd.s32 @!p0 $0x88, s6;
	s7 =	simm.s32 @p2 $0x1082  }
0x22: {  	[simem:s7], [sflag:s8] =	dma.local @!p0 [hbm:s6], $0xF7A  }
0x23: {  	s9 =	sor.u32 $0xD0000000, s2;
	s6 =	simm.s32 $0x108;
	_ =	swait.ge @!p0 [sflag:s8], $0x0  }
0x24: {  	s3 =	sadd.s32 $0x88, s3;
	s6 =	simm.s32 @!p1 $0x1082;
	[sflag:s4] =	ssyncset.s32 $0xFFFFF086  }
0x25: {  	[simem:s6], [sflag:s4] =	dma.local [hbm:s3], $0xF7A  }
0x26: {  	[smem:$0x3F97] =	sst s1;
	(tag) =	ssettag s2;
	_ =	strace s9  }
0x27: {  	s1 =	sld [smem:$0x3FA7]  }
0x28: {  	s2 =	sld [smem:$0x3FA8]  }
0x29: {  	s4 =	sld [smem:$0x3FAA]  }
0x2a: {  	p0 =	seq.s32 s5, $0x0;
	s5 =	sld [smem:$0x3FAB]  }
0x2b: {  	s6 =	sld [smem:$0x3FAC]  }
0x2c: {  	s7 =	sld [smem:$0x3FAD]  }
0x2d: {  	s3 =	simm.s32 $0x108;
	s8 =	sld [smem:$0x3FAE]  }
0x2e: {  	s3 =	simm.s32 @!p0 $0x1082;
	s9 =	sld [smem:$0x3FAF]  }
0x2f: {  	lr =	sadd.s32 s0, s3;
	s0 =	sld [smem:$0x3FA6]  }
0x30: {  	s3 =	sld [smem:$0x3FA9]  }
0x31: {  	[smem:$0x3FB2] =	sst s10  }
0x32: {  	s10 =	sld [smem:$0x3FB0];
	_ =	sdelay $0x3  }
0x33: {  	p0 =	seq.s32 s10, $0x1;
	s10 =	sld [smem:$0x3FB2];
	_ =	sdelay $0x3  }
0x34: {  	[smem:$0x3FB2] =	sst s10  }
0x35: {  	s10 =	sld [smem:$0x3FB1];
	_ =	sdelay $0x3  }
0x36: {  	p1 =	seq.s32 s10, $0x1;
	s10 =	sld [smem:$0x3FB2];
	_ =	sdelay $0x3  }
0x37: {  	[smem:$0x3FB2] =	sst s10  }
0x38: {  	s10 =	sld [smem:$0x3FB3]  }
0x39: {  	_ = 	snop;
	(pc) =	sbr.ind lr, $3  }
0x3a: {  	_ = 	snop  }
0x3b: {  	_ = 	snop  }
0x3c: {  	p2 =	seq.s32 s10, $0x1;
	s10 =	sld [smem:$0x3FB2]  }
0x3d: {  	_ =	shalt  }
0x3e: {  	_ =	shalt  }
0x3f: {  	_ =	shalt  }
0x40: {  	_ =	shalt  }
0x41: {  	_ =	shalt  }
0x42: {  	_ =	shalt  }
0x43: {  	_ =	shalt  }
0x44: {  	_ =	shalt  }
0x45: {  	_ =	shalt  }
0x46: {  	_ =	shalt  }
0x47: {  	_ =	shalt  }
0x48: {  	_ =	shalt  }
0x49: {  	_ =	shalt  }
0x4a: {  	_ =	shalt  }
0x4b: {  	_ =	shalt  }
0x4c: {  	_ =	shalt  }
0x4d: {  	_ =	shalt  }
0x4e: {  	_ =	shalt  }
0x4f: {  	_ =	shalt  }
0x50: {  	_ =	shalt  }
0x51: {  	_ =	shalt  }
0x52: {  	_ =	shalt  }
0x53: {  	_ =	shalt  }
0x54: {  	_ =	shalt  }
0x55: {  	_ =	shalt  }
0x56: {  	_ =	shalt  }
0x57: {  	_ =	shalt  }
0x58: {  	_ =	shalt  }
0x59: {  	_ =	shalt  }
0x5a: {  	_ =	shalt  }
0x5b: {  	_ =	shalt  }
0x5c: {  	_ =	shalt  }
0x5d: {  	_ =	shalt  }
0x5e: {  	_ =	shalt  }
0x5f: {  	_ =	shalt  }
0x60: {  	_ =	shalt  }
0x61: {  	_ =	shalt  }
0x62: {  	_ =	shalt  }
0x63: {  	_ =	shalt  }
0x64: {  	_ =	shalt  }
0x65: {  	_ =	shalt  }
0x66: {  	_ =	shalt  }
0x67: {  	_ =	shalt  }
0x68: {  	_ =	shalt  }
0x69: {  	_ =	shalt  }
0x6a: {  	_ =	shalt  }
0x6b: {  	_ =	shalt  }
0x6c: {  	_ =	shalt  }
0x6d: {  	_ =	shalt  }
0x6e: {  	_ =	shalt  }
0x6f: {  	_ =	shalt  }
0x70: {  	_ =	shalt  }
0x71: {  	_ =	shalt  }
0x72: {  	_ =	shalt  }
0x73: {  	_ =	shalt  }
0x74: {  	_ =	shalt  }
0x75: {  	_ =	shalt  }
0x76: {  	_ =	shalt  }
0x77: {  	_ =	shalt  }
0x78: {  	_ =	shalt  }
0x79: {  	_ =	shalt  }
0x7a: {  	_ =	shalt  }
0x7b: {  	_ =	shalt  }
0x7c: {  	_ =	shalt  }
0x7d: {  	_ =	shalt  }
0x7e: {  	_ =	shalt  }
0x7f: {  	_ =	shalt  }
0x80: {  	_ =	shalt  }
0x81: {  	_ =	shalt  }
0x82: {  	_ =	shalt  }
0x83: {  	_ =	shalt  }
0x84: {  	_ =	shalt  }
0x85: {  	_ =	shalt  }
0x86: {  	_ =	shalt  }
0x87: {  	_ =	shalt  }
.Lfunc_end0:
.L_simem_size_0:
called_computation_lowered:
.L_overlay_start_0:
0x88: {  	s2 =	sld [smem:$0x3FD9]  }
0x89: {  	s3 =	sld [smem:$0x3FFE];
	_ =	sdelay $0x1  }
0x8a: {  	s1 =	srdreg.scid  }
0x8b: {  	s0 =	sand.u32 $0x1, s1  }
0x8c: {  	s14 =	sshll.u32 s0, $0xA;
	s2 =	sadd.s32 s3, s2  }
0x8d: {  	s2 =	sadd.s32 s2, s14  }
0x8e: {  	[smem:$0x3FBE] =	sst s2  }
0x8f: {  	_ = 	snop  }
0x90: {  	s2 =	sld [smem:$0x3FD0];
	_ =	sdelay $0x1  }
0x91: {  	s15 =	sld [smem:$0x3FC7]  }
0x92: {  	s5 =	simm.s32 $0xA;
	s6 =	simm.s32 $0x10;
	s4 =	sld [smem:$0x3FC6]  }
0x93: {  	[smem:s6], [sflag:s5] =	dma.local [hbm:s2], $0x1  }
0x94: {  	_ =	swait.eq [sflag:s5], $0x1  }
0x95: {  	[sflag:s5] =	ssyncset.done $0x0  }
0x96: {  	s16 =	sld [smem:$0x12];
	[sflag:s5] =	ssyncadd.s32 $0xFFFFFFFF  }
0x97: {  	s17 =	sld [smem:$0x13];
	(tm) =	ssettm $0x1  }
0x98: {  	s18 =	sld [smem:$0x3FFB];
	_ =	sdelay $0x3  }
0x99: {  	_ =	strace s18  }
0x9a: {  	s6 =	sld [smem:$0x3FFC];
	_ =	sdelay $0x3  }
0x9b: {  	_ =	strace s6  }
0x9c: {  	s6 =	sld [smem:$0x3FFD];
	_ =	sdelay $0x3  }
0x9d: {  	_ =	strace s6  }
0x9e: {  	_ =	strace $0x8FFFFFFF  }
0x9f: {  	s19 =	sld [smem:$0x3FDB];
	_ =	sdelay $0x1  }
0xa0: {  	s7 =	simm.s32 $_scs_section_size  }
0xa1: {  	s8 =	simm.s32 $_size__tile_overlayer_lowered;
	s9 =	simm.s32 $_tile_overlayer_lowered  }
0xa2: {  	s22 =	simm.s32 $0x1BFF;
	s21 =	sshll.u32 s9, $0x1;
	s6 =	sadd.s32 s7, s19  }
0xa3: {  	s10 =	simm.s32 $0x0;
	s20 =	sshll.u32 s8, $0x1;
	s8 =	sadd.s32 s21, s6  }
0xa4: {  	[timem:s10], [sflag:s22] =	dma.local [hbm:s8], s20  }
0xa5: {  	_ =	swait.ge [sflag:s22], s20  }
0xa6: {  	s7 =	ssub.s32 $0x0, s20;
	[sflag:s22] =	ssyncset.done $0x0  }
0xa7: {  	[sflag:s22] =	ssyncadd.s32 s7;
	_ =	sdelay $0x1  }
0xa8: {  	s23 =	simm.s32 $0x1B8B  }
0xa9: {  	_ =	swait.ge [sflag:s23], $0x1  }
0xaa: {  	[sflag:s23] =	ssyncset.done $0x0  }
0xab: {  	s25 =	simm.s32 $0x1B8E;
	s24 =	sld [smem:$0x3FFE];
	[sflag:s23] =	ssyncadd.s32 $0xFFFFFFFF  }
0xac: {  	s26 =	simm.s32 $execute0_lowered;
	[smem:$0x3FD2] =	sst s25  }
0xad: {  	s8 =	sshll.u32 s26, $0x1;
	_ =	strace $0x80000046;
	[dreg:$0x1] =	wrdreg $0xFFFFFFFF  }
0xae: {  	s28 =	simm.s32 $_size_execute0_lowered;
	s6 =	sadd.s32 s6, s8;
	[dreg:$0x0] =	wrdreg $0x0  }
0xaf: {  	s8 =	sshll.u32 s28, $0x1;
	[dreg:$0x2] =	wrdreg s6  }
0xb0: {  	[dreg:$0x3] =	wrdreg s8  }
0xb1: {  	[dreg:$0x4] =	wrdreg $0xC0  }
0xb2: {  	_ =	task [dreg:s10], $0x5FFFF  }
0xb3: {  	[dreg:$0x1] =	wrdreg $0xFFFFFFFF  }
0xb4: {  	[dreg:$0x0] =	wrdreg $0x60  }
0xb5: {  	[dreg:$0x2] =	wrdreg s24  }
0xb6: {  	[dreg:$0x3] =	wrdreg s15  }
0xb7: {  	[dreg:$0x4] =	wrdreg s4  }
0xb8: {  	[dreg:$0x5] =	wrdreg s16  }
0xb9: {  	[dreg:$0x6] =	wrdreg s17  }
0xba: {  	[dreg:$0x7] =	wrdreg $0x1CF300  }
0xbb: {  	[dreg:$0x8] =	wrdreg $0xCD200  }
0xbc: {  	[dreg:$0x9] =	wrdreg $0x1CD200  }
0xbd: {  	[dreg:$0xa] =	wrdreg $0x9  }
0xbe: {  	_ =	task.clear_ibuf [dreg:s10], $0xBFFFF;
	_ =	strace $0x90000046  }
0xbf: {  	s29 =	simm.s32 $0x9;
	_ =	strace $0x80000048  }
0xc0: {  	_ =	swait.ge [sflag:s29], $0x1  }
0xc1: {  	[sflag:s29] =	ssyncadd.s32 $0xFFFFFFFF  }
0xc2: {  	_ =	strace $0x90000048  }
0xc3: {  	_ =	sfence  }
0xc4: {  	s30 =	sld [smem:$0x0];
	_ =	sdelay $0x2  }
0xc5: {  	s31 =	sshll.u32 s1, $0xD;
	s1 =	sshrl.u32 s1, $0x2  }
0xc6: {  	s3 =	sand.u32 $0x4000, s31;
	s1 =	sadd.s32 s1, s30  }
0xc7: {  	s0 =	sor.u32 s3, s0;
	s1 =	sshll.u32 s1, $0x11  }
0xc8: {  	s0 =	sor.u32 s1, s0  }
0xc9: {  	s0 =	sadd.s32 $0x8F2B, s0  }
0xca: {  	[sflag:s0] =	ssyncadd.remote.s32 $0x1  }
0xcb: {  	_ =	sfence.sel $0xFFFF  }
0xcc: {  	[dreg:$0x0] =	wrdreg $0xFFFFFFFF;
	(pc) =	sbr.abs _section_cstart, $3  }
0xcd: {  	[dreg:$0x1] =	wrdreg $0xFFFFFFFF  }
0xce: {  	_ =	task.clear_ibuf [dreg:s10], $0x2FFFF;
	_ =	strace $0x9FFFFFFF  }
0xcf: {  	(tm) =	ssettm $0x7FFFFFFF  }
tec
execute0_lowered:
.L_overlay_start_1:
0x0: {  	(tag) =	ssettag $0x1  }
0x1: {  	s0 =	rddreg [dreg:$0x0]  }
0x2: {  	s9 =	rddreg [dreg:$0x1]  }
0x3: {  	s10 =	rddreg [dreg:$0x2]  }
0x4: {  	s1 =	rddreg [dreg:$0x3]  }
0x5: {  	s2 =	rddreg [dreg:$0x4]  }
0x6: {  	s3 =	rddreg [dreg:$0x5]  }
0x7: {  	s4 =	rddreg [dreg:$0x6]  }
0x8: {  	s5 =	rddreg [dreg:$0x7]  }
0x9: {  	s6 =	simm.s32 $0x0;
	s11 =	srdreg.scid;
	s18 =	stileid.u32  }
0xa: {  	s28 =	simm.s32 $0xC000;
	s29 =	simm.s32 $0x1;
	s30 =	simm.s32 $0x3  }
0xb: {  	s31 =	simm.s32 $0x8000;
	s16 =	simm.s32 $0x6;
	[smem:$0x7FF] =	sst s6  }
0xc: {  	s17 =	simm.s32 $0x8;
	s7 =	sadd.s32 $0x187600, s0;
	s8 =	sadd.s32 $0x24AC00, s0  }
0xd: {  	s12 =	sadd.s32 $0x30E200, s0;
	s11 =	sand.u32 $0x1, s11;
	s0 =	sadd.s32 $0xA00, s0  }
0xe: {  	s14 =	sshll.u32 s18, $0xA;
	s15 =	smul.u32 $0x840, s18;
	s21 =	sshll.u32 s18, $0x10  }
0xf: {  	p1 =	sne.s32 s18, $0x0;
	_ =	strace $0x80000047;
	[dreg:$0x9] =	wrdreg s12  }
0x10: {  	[dreg:$0xa] =	wrdreg s0;
	s19 =	ssub.s32 $0x2, s11;
	p0 =	seq.s32 s11, $0x1  }
0x11: {  	s9 =	sadd.s32 s9, s14;
	s20 =	sadd.s32 s10, s14;
	s0 =	sshrl.u32 @!p1 s3, $0x3  }
0x12: {  	s11 =	simm.s32 $0x5;
	s14 =	simm.s32 $0x0;
	[dreg:$0xb] =	wrdreg s9  }
0x13: {  	s13 =	sshrl.u32 s19, $0x1;
	[dreg:$0xc] =	wrdreg s20;
	s22 =	sshrl.u32 s15, $0x2  }
0x14: {  	s9 =	sadd.s32 s21, s4;
	s15 =	sshll.u32 s18, $0x9;
	[dreg:$0x14] =	wrdreg s0  }
0x15: {  	s21 =	simm.s32 $0x9;
	s10 =	sadd.s32 s22, s5;
	[dreg:$0xd] =	wrdreg s9  }
0x16: {  	s0 =	simm.s32 $0xC080;
	s23 =	sadd.s32 s15, s5;
	[dreg:$0xe] =	wrdreg s10  }
0x17: {  	s18 =	simm.s32 $0xC520;
	s25 =	sadd.s32 $0x4000, s9;
	[dreg:$0xf] =	wrdreg s23  }
.Ltmp0:
0x18: {  	s26 =	sadd.s32 $0x8000, s9;
	[dreg:$0x11] =	wrdreg s25;
	(pc) =	sbr.rel .LBB2_1-.Ltmp0, $4  }
0x19: {  	s12 =	ssub.s32 s19, s13;
	s9 =	sadd.s32 $0xC000, s9;
	[dreg:$0x12] =	wrdreg s26  }
0x1a: {  	s24 =	smax.u32 s12, $0x1;
	[dreg:$0x13] =	wrdreg s9;
	s23 =	simm.s32 $0x2000  }
0x1b: {  	s26 =	simm.s32 $0x80;
	s9 =	simm.s32 $0x2;
	s10 =	simm.s32 $0x4  }
0x1c: {  	v0 =	vimm.f32 $0.0e+00;
	s12 =	simm.s32 $0x7;
	[dreg:$0x10] =	wrdreg s24;
	s24 =	simm.s32 $0x4000  }
.LBB2_20:
0x1d: {  	s14 =	rddreg [dreg:$0x15]  }
0x1e: {  	s13 =	rddreg [dreg:$0x10];
	s14 =	sadd.s32 $0x1, s14  }
0x1f: {  	p2 =	sne.s32 s14, s13  }
.Ltmp1:
0x20: {  	_ = 	snop;
	(pc) =	sbr.rel @!p2 .LBB2_21-.Ltmp1, $2  }
0x21: {  	_ =	sdelay $0x2  }
0x22: {  	s23 =	simm.s32 $0x2000  }
.LBB2_1:
0x23: {  	[dreg:$0x15] =	wrdreg s14  }
0x24: {  	s13 =	rddreg [dreg:$0xb]  }
0x25: {  	[tilespmem:s6], [sflag:$0x9] =	stream.linear.gather [hbm4b:s13+s6], $0x2000, $0x38;
	[tilespmem:$0x1DB68] =	vst v63  }
0x26: {  	_ =	swait.ge [sflag:s21], $0x2000  }
0x27: {  	[sflag:s21] =	ssyncset.done $0x0  }
.Ltmp2:
0x28: {  	s25 =	rddreg [dreg:$0xc];
	[sflag:s21] =	ssyncadd.s32 $0xFFFFE000;
	(pc) =	sbr.rel @!p0 .LBB2_2-.Ltmp2, $4  }
0x29: {  	[tilespmem:s23], [sflag:$0x9] =	stream.linear.gather [hbm4b:s25+s6], $0x2000, $0x38;
	[tilespmem:$0x1DB68] =	vst v63  }
0x2a: {  	_ =	swait.ge [sflag:s21], $0x2000  }
0x2b: {  	[sflag:s21] =	ssyncset.done $0x0  }
0x2c: {  	[sflag:s21] =	ssyncadd.s32 $0xFFFFE000  }
0x2d: {  	s14 =	rddreg [dreg:$0xa]  }
0x2e: {  	s13 =	simm.s32 @!p1 $0x1C09;
	s19 =	rddreg [dreg:$0x14]  }
0x2f: {  	[spmem:s19], [sflag:s13] =	dma.local @!p1 [hbm:s14], $0x186A  }
0x30: {  	s14 =	simm.s32 @!p1 $0x9;
	s13 =	simm.s32 $0x0  }
0x31: {  	_ =	swait.ge @!p1 [sflag:s14], $0x186A;
	s25 =	sand.u32 $0xFE00, s13  }
0x32: {  	s20 =	sand.u32 $0x70, s13;
	[sflag:s14] =	ssyncset.done @!p1 $0x0;
	s19 =	sshrl.u32 s25, $0x2  }
0x33: {  	[sflag:s14] =	ssyncadd.s32 @!p1 $0xFFFFE796;
	s14 =	simm.s32 $0x40;
	s20 =	sor.u32 s20, s19  }
.LBB2_12:
0x34: {  	p2 =	sne.s32 s14, $0xFFC0  }
0x35: {  	[tilespmem:s20+$0x4000] =	vst v0;
	s13 =	sadd.s32 $0x10, s13;
	s19 =	smov.u32 s14;
	s14 =	sadd.s32 $0x40, s14  }
.Ltmp3:
0x36: {  	(pc) =	sbr.rel @p2 .LBB2_12-.Ltmp3, $4  }
0x37: {  	_ = 	snop  }
0x38: {  	s19 =	sand.u32 $0xFE00, s19  }
0x39: {  	s20 =	sand.u32 $0x70, s13;
	s19 =	sshrl.u32 s19, $0x2  }
0x3a: {  	s20 =	sor.u32 s20, s19  }
0x3b: {  	[tilespmem:s20+$0x4000] =	vst v0  }
0x3c: {  	[tilespmem:$0xC100] =	vst v0  }
0x3d: {  	[tilespmem:$0xC110] =	vst v0  }
0x3e: {  	[tilespmem:$0xC120] =	vst v0  }
0x3f: {  	[tilespmem:$0xC130] =	vst v0  }
0x40: {  	[tilespmem:$0xC140] =	vst v0  }
0x41: {  	[tilespmem:$0xC150] =	vst v0  }
0x42: {  	[tilespmem:$0xC160] =	vst v0  }
0x43: {  	[tilespmem:$0xC170] =	vst v0  }
0x44: {  	[tilespmem:$0xC180] =	vst v0  }
0x45: {  	[tilespmem:$0xC190] =	vst v0  }
0x46: {  	[tilespmem:$0xC1A0] =	vst v0  }
0x47: {  	[tilespmem:$0xC1B0] =	vst v0  }
0x48: {  	[tilespmem:$0xC1C0] =	vst v0  }
0x49: {  	[tilespmem:$0xC1D0] =	vst v0  }
0x4a: {  	[tilespmem:$0xC1E0] =	vst v0  }
0x4b: {  	[tilespmem:$0xC1F0] =	vst v0  }
0x4c: {  	[tilespmem:$0xC200] =	vst v0  }
0x4d: {  	[tilespmem:$0xC210] =	vst v0  }
0x4e: {  	[tilespmem:$0xC220] =	vst v0  }
0x4f: {  	[tilespmem:$0xC230] =	vst v0  }
0x50: {  	[tilespmem:$0xC240] =	vst v0  }
0x51: {  	[tilespmem:$0xC250] =	vst v0  }
0x52: {  	[tilespmem:$0xC260] =	vst v0  }
0x53: {  	[tilespmem:$0xC270] =	vst v0  }
0x54: {  	[tilespmem:$0xC280] =	vst v0  }
0x55: {  	[tilespmem:$0xC290] =	vst v0  }
0x56: {  	[tilespmem:$0xC2A0] =	vst v0  }
0x57: {  	[tilespmem:$0xC2B0] =	vst v0  }
0x58: {  	[tilespmem:$0xC2C0] =	vst v0  }
0x59: {  	[tilespmem:$0xC2D0] =	vst v0  }
0x5a: {  	[tilespmem:$0xC2E0] =	vst v0  }
0x5b: {  	[tilespmem:$0xC2F0] =	vst v0  }
0x5c: {  	s13 =	rddreg [dreg:$0xd];
	[tilespmem:$0xC300] =	vst v0  }
0x5d: {  	[spmem:s13] =	stream.linear.scatter [tilespmem:s24], [sflag:$0x9], $0x4000, $0x38;
	[tilespmem:$0x1DB68] =	vst v63  }
0x5e: {  	_ =	swait.ge [sflag:s21], $0x4000  }
0x5f: {  	[sflag:s21] =	ssyncset.done $0x0  }
0x60: {  	s14 =	rddreg [dreg:$0x11];
	[sflag:s21] =	ssyncadd.s32 $0xFFFFC000  }
0x61: {  	[spmem:s14] =	stream.linear.scatter [tilespmem:s24], [sflag:$0x9], $0x4000, $0x38;
	[tilespmem:$0x1DB68] =	vst v63  }
0x62: {  	_ =	swait.ge [sflag:s21], $0x4000  }
0x63: {  	[sflag:s21] =	ssyncset.done $0x0  }
0x64: {  	s19 =	rddreg [dreg:$0x12];
	[sflag:s21] =	ssyncadd.s32 $0xFFFFC000  }
0x65: {  	[spmem:s19] =	stream.linear.scatter [tilespmem:s24], [sflag:$0x9], $0x4000, $0x38;
	[tilespmem:$0x1DB68] =	vst v63  }
0x66: {  	_ =	swait.ge [sflag:s21], $0x4000  }
0x67: {  	[sflag:s21] =	ssyncset.done $0x0  }
0x68: {  	s20 =	rddreg [dreg:$0x13];
	[sflag:s21] =	ssyncadd.s32 $0xFFFFC000  }
0x69: {  	[spmem:s20] =	stream.linear.scatter [tilespmem:s24], [sflag:$0x9], $0x4000, $0x38;
	[tilespmem:$0x1DB68] =	vst v63  }
0x6a: {  	_ =	swait.ge [sflag:s21], $0x4000  }
0x6b: {  	[sflag:s21] =	ssyncset.done $0x0  }
0x6c: {  	s14 =	simm.s32 $0xC100;
	s22 =	rddreg [dreg:$0xe];
	[sflag:s21] =	ssyncadd.s32 $0xFFFFC000  }
0x6d: {  	[spmem:s22] =	stream.linear.scatter [tilespmem:s14], [sflag:$0x9], $0x210, $0x38;
	[tilespmem:$0x1DB68] =	vst v63  }
0x6e: {  	_ =	swait.ge [sflag:s21], $0x210  }
0x6f: {  	[sflag:s21] =	ssyncset.done $0x0  }
0x70: {  	[sflag:s21] =	ssyncadd.s32 $0xFFFFFDF0  }
0x71: {  	[bflag:$0x0] =	sbarrier.arrive $0xFFFF  }
0x72: {  	[tilespmem:s24], [sflag:$0x1] =	stream.indirect.gather [hbm4b:s8+s26], $0x80, s6, s26, $0xb8;
	[tilespmem:$0x1DB68] =	vst v63  }
0x73: {  	_ = 	snop  }
0x74: {  	[tilespmem:s28], [sflag:$0x3] =	stream.indirect.gather [spmem:s3], $0x1, s6, s26, $0xb8;
	[tilespmem:$0x1DB68] =	vst v63  }
0x75: {  	_ =	swait.ge [sflag:s29], $0x4000  }
0x76: {  	[sflag:s29] =	ssyncset.done $0x0  }
0x77: {  	[sflag:s29] =	ssyncadd.s32 $0xFFFFC000  }
0x78: {  	_ =	swait.ge [sflag:s30], $0x80  }
0x79: {  	[sflag:s30] =	ssyncset.done $0x0  }
0x7a: {  	[sflag:s30] =	ssyncadd.s32 $0xFFFFFF80  }
0x7b: {  	[spmem:s4] =	stream.indirect.scatter.add.f32 [tilespmem:s24], [sflag:$0x5], $0x80, s23, s26, $0xb8;
	[tilespmem:$0x1DB68] =	vst v63  }
0x7c: {  	_ = 	snop  }
0x7d: {  	[spmem:s5] =	stream.indirect.scatter.add.f32 [tilespmem:s28], [sflag:$0x7], $0x1, s23, s26, $0xb8;
	[tilespmem:$0x1DB68] =	vst v63  }
0x7e: {  	_ = 	snop  }
0x7f: {  	[tilespmem:s31], [sflag:$0x2] =	stream.indirect.gather [hbm4b:s8+s26], $0x80, s26, s26, $0xb8;
	[tilespmem:$0x1DB68] =	vst v63  }
0x80: {  	_ = 	snop  }
0x81: {  	[tilespmem:s0], [sflag:$0x4] =	stream.indirect.gather [spmem:s3], $0x1, s26, s26, $0xb8;
	[tilespmem:$0x1DB68] =	vst v63  }
0x82: {  	_ =	swait.ge [sflag:s9], $0x4000  }
0x83: {  	[sflag:s9] =	ssyncset.done $0x0  }
0x84: {  	[sflag:s9] =	ssyncadd.s32 $0xFFFFC000  }
0x85: {  	_ =	swait.ge [sflag:s10], $0x80  }
0x86: {  	[sflag:s10] =	ssyncset.done $0x0  }
0x87: {  	s23 =	simm.s32 $0x2080;
	[sflag:s10] =	ssyncadd.s32 $0xFFFFFF80  }
0x88: {  	[spmem:s4] =	stream.indirect.scatter.add.f32 [tilespmem:s31], [sflag:$0x6], $0x80, s23, s26, $0xb8;
	[tilespmem:$0x1DB68] =	vst v63  }
0x89: {  	_ = 	snop  }
0x8a: {  	[spmem:s5] =	stream.indirect.scatter.add.f32 [tilespmem:s0], [sflag:$0x8], $0x1, s23, s26, $0xb8;
	[tilespmem:$0x1DB68] =	vst v63  }
0x8b: {  	_ =	swait.ge [sflag:s11], $0x4000  }
0x8c: {  	[sflag:s11] =	ssyncset.done $0x0  }
0x8d: {  	[sflag:s11] =	ssyncadd.s32 $0xFFFFC000  }
0x8e: {  	_ =	swait.ge [sflag:s12], $0x80  }
0x8f: {  	[sflag:s12] =	ssyncset.done $0x0  }
0x90: {  	s25 =	simm.s32 $0x100;
	[sflag:s12] =	ssyncadd.s32 $0xFFFFFF80  }
0x91: {  	[tilespmem:s24], [sflag:$0x1] =	stream.indirect.gather [hbm4b:s8+s26], $0x80, s25, s26, $0xb8;
	[tilespmem:$0x1DB68] =	vst v63  }
0x92: {  	s13 =	simm.s32 $0xFFFF8800  }
0x93: {  	[tilespmem:s28], [sflag:$0x3] =	stream.indirect.gather [spmem:s3], $0x1, s25, s26, $0xb8;
	[tilespmem:$0x1DB68] =	vst v63  }
.LBB2_14:
0x94: {  	_ =	swait.ge [sflag:s29], $0x4000  }
0x95: {  	[sflag:s29] =	ssyncset.done $0x0  }
0x96: {  	[sflag:s29] =	ssyncadd.s32 $0xFFFFC000  }
0x97: {  	_ =	swait.ge [sflag:s30], $0x80  }
0x98: {  	s14 =	sshra.s32 s13, $0x2;
	[sflag:s30] =	ssyncset.done $0x0  }
0x99: {  	s19 =	sadd.s32 $0x3F00, s14;
	[sflag:s30] =	ssyncadd.s32 $0xFFFFFF80  }
0x9a: {  	[spmem:s4] =	stream.indirect.scatter.add.f32 [tilespmem:s24], [sflag:$0x5], $0x80, s19, s26, $0xb8;
	[tilespmem:$0x1DB68] =	vst v63  }
0x9b: {  	_ = 	snop  }
0x9c: {  	[spmem:s5] =	stream.indirect.scatter.add.f32 [tilespmem:s28], [sflag:$0x7], $0x1, s19, s26, $0xb8;
	[tilespmem:$0x1DB68] =	vst v63  }
0x9d: {  	_ =	swait.ge [sflag:s16], $0x4000  }
0x9e: {  	[sflag:s16] =	ssyncset.done $0x0  }
0x9f: {  	[sflag:s16] =	ssyncadd.s32 $0xFFFFC000  }
0xa0: {  	_ =	swait.ge [sflag:s17], $0x80  }
0xa1: {  	[sflag:s17] =	ssyncset.done $0x0  }
0xa2: {  	s23 =	sadd.s32 $0x1F80, s14;
	[sflag:s17] =	ssyncadd.s32 $0xFFFFFF80  }
0xa3: {  	[tilespmem:s31], [sflag:$0x2] =	stream.indirect.gather [hbm4b:s8+s26], $0x80, s23, s26, $0xb8;
	[tilespmem:$0x1DB68] =	vst v63  }
0xa4: {  	_ = 	snop  }
0xa5: {  	[tilespmem:s0], [sflag:$0x4] =	stream.indirect.gather [spmem:s3], $0x1, s23, s26, $0xb8;
	[tilespmem:$0x1DB68] =	vst v63  }
0xa6: {  	_ =	swait.ge [sflag:s9], $0x4000  }
0xa7: {  	[sflag:s9] =	ssyncset.done $0x0  }
0xa8: {  	[sflag:s9] =	ssyncadd.s32 $0xFFFFC000  }
0xa9: {  	_ =	swait.ge [sflag:s10], $0x80  }
0xaa: {  	[sflag:s10] =	ssyncset.done $0x0  }
0xab: {  	s25 =	sadd.s32 $0x3F80, s14;
	[sflag:s10] =	ssyncadd.s32 $0xFFFFFF80  }
0xac: {  	[spmem:s4] =	stream.indirect.scatter.add.f32 [tilespmem:s31], [sflag:$0x6], $0x80, s25, s26, $0xb8;
	[tilespmem:$0x1DB68] =	vst v63  }
0xad: {  	_ = 	snop  }
0xae: {  	[spmem:s5] =	stream.indirect.scatter.add.f32 [tilespmem:s0], [sflag:$0x8], $0x1, s25, s26, $0xb8;
	[tilespmem:$0x1DB68] =	vst v63  }
0xaf: {  	p2 =	seq.s32 s13, $0x0;
	_ =	swait.ge [sflag:s11], $0x4000  }
.Ltmp4:
0xb0: {  	[sflag:s11] =	ssyncset.done $0x0;
	(pc) =	sbr.rel @p2 .LBB2_16-.Ltmp4, $4  }
0xb1: {  	[sflag:s11] =	ssyncadd.s32 $0xFFFFC000  }
0xb2: {  	_ =	swait.ge [sflag:s12], $0x80  }
0xb3: {  	[sflag:s12] =	ssyncset.done $0x0  }
0xb4: {  	[sflag:s12] =	ssyncadd.s32 $0xFFFFFF80  }
.Ltmp5:
0xb5: {  	(pc) =	sbr.rel .LBB2_14-.Ltmp5, $4  }
0xb6: {  	s14 =	sadd.s32 $0x2000, s14  }
0xb7: {  	[tilespmem:s24], [sflag:$0x1] =	stream.indirect.gather [hbm4b:s8+s26], $0x80, s14, s26, $0xb8;
	[tilespmem:$0x1DB68] =	vst v63  }
0xb8: {  	s13 =	sadd.s32 $0x400, s13  }
0xb9: {  	[tilespmem:s28], [sflag:$0x3] =	stream.indirect.gather [spmem:s3], $0x1, s14, s26, $0xb8;
	[tilespmem:$0x1DB68] =	vst v63  }
.LBB2_2:
0xba: {  	s14 =	rddreg [dreg:$0x9]  }
0xbb: {  	s13 =	simm.s32 @!p1 $0x1C09;
	s19 =	rddreg [dreg:$0x14]  }
0xbc: {  	[spmem:s19], [sflag:s13] =	dma.local @!p1 [hbm:s14], $0x186A  }
0xbd: {  	s14 =	simm.s32 @!p1 $0x9;
	s13 =	simm.s32 $0x0  }
0xbe: {  	_ =	swait.ge @!p1 [sflag:s14], $0x186A;
	s20 =	sand.u32 $0xFE00, s13  }
0xbf: {  	s22 =	sand.u32 $0x70, s13;
	[sflag:s14] =	ssyncset.done @!p1 $0x0;
	s20 =	sshrl.u32 s20, $0x2  }
0xc0: {  	[sflag:s14] =	ssyncadd.s32 @!p1 $0xFFFFE796;
	s14 =	simm.s32 $0x40;
	s20 =	sor.u32 s22, s20  }
.LBB2_3:
0xc1: {  	p2 =	sne.s32 s14, $0xFFC0  }
0xc2: {  	[tilespmem:s20+$0x4000] =	vst v0;
	s13 =	sadd.s32 $0x10, s13;
	s20 =	smov.u32 s14;
	s14 =	sadd.s32 $0x40, s14  }
.Ltmp6:
0xc3: {  	(pc) =	sbr.rel @p2 .LBB2_3-.Ltmp6, $4  }
0xc4: {  	_ = 	snop  }
0xc5: {  	s20 =	sand.u32 $0xFE00, s20  }
0xc6: {  	s22 =	sand.u32 $0x70, s13;
	s20 =	sshrl.u32 s20, $0x2  }
0xc7: {  	s20 =	sor.u32 s22, s20  }
0xc8: {  	[tilespmem:s20+$0x4000] =	vst v0  }
0xc9: {  	[tilespmem:$0xC100] =	vst v0  }
0xca: {  	[tilespmem:$0xC110] =	vst v0  }
0xcb: {  	[tilespmem:$0xC120] =	vst v0  }
0xcc: {  	[tilespmem:$0xC130] =	vst v0  }
0xcd: {  	[tilespmem:$0xC140] =	vst v0  }
0xce: {  	[tilespmem:$0xC150] =	vst v0  }
0xcf: {  	[tilespmem:$0xC160] =	vst v0  }
0xd0: {  	[tilespmem:$0xC170] =	vst v0  }
0xd1: {  	[tilespmem:$0xC180] =	vst v0  }
0xd2: {  	[tilespmem:$0xC190] =	vst v0  }
0xd3: {  	[tilespmem:$0xC1A0] =	vst v0  }
0xd4: {  	[tilespmem:$0xC1B0] =	vst v0  }
0xd5: {  	[tilespmem:$0xC1C0] =	vst v0  }
0xd6: {  	[tilespmem:$0xC1D0] =	vst v0  }
0xd7: {  	[tilespmem:$0xC1E0] =	vst v0  }
0xd8: {  	[tilespmem:$0xC1F0] =	vst v0  }
0xd9: {  	[tilespmem:$0xC200] =	vst v0  }
0xda: {  	[tilespmem:$0xC210] =	vst v0  }
0xdb: {  	[tilespmem:$0xC220] =	vst v0  }
0xdc: {  	[tilespmem:$0xC230] =	vst v0  }
0xdd: {  	[tilespmem:$0xC240] =	vst v0  }
0xde: {  	[tilespmem:$0xC250] =	vst v0  }
0xdf: {  	[tilespmem:$0xC260] =	vst v0  }
0xe0: {  	[tilespmem:$0xC270] =	vst v0  }
0xe1: {  	[tilespmem:$0xC280] =	vst v0  }
0xe2: {  	[tilespmem:$0xC290] =	vst v0  }
0xe3: {  	[tilespmem:$0xC2A0] =	vst v0  }
0xe4: {  	[tilespmem:$0xC2B0] =	vst v0  }
0xe5: {  	[tilespmem:$0xC2C0] =	vst v0  }
0xe6: {  	[tilespmem:$0xC2D0] =	vst v0  }
0xe7: {  	[tilespmem:$0xC2E0] =	vst v0  }
0xe8: {  	[tilespmem:$0xC2F0] =	vst v0  }
0xe9: {  	s13 =	rddreg [dreg:$0xd];
	[tilespmem:$0xC300] =	vst v0  }
0xea: {  	[spmem:s13] =	stream.linear.scatter [tilespmem:s24], [sflag:$0x9], $0x4000, $0x38;
	[tilespmem:$0x1DB68] =	vst v63  }
0xeb: {  	_ =	swait.ge [sflag:s21], $0x4000  }
0xec: {  	[sflag:s21] =	ssyncset.done $0x0  }
0xed: {  	s14 =	rddreg [dreg:$0x11];
	[sflag:s21] =	ssyncadd.s32 $0xFFFFC000  }
0xee: {  	[spmem:s14] =	stream.linear.scatter [tilespmem:s24], [sflag:$0x9], $0x4000, $0x38;
	[tilespmem:$0x1DB68] =	vst v63  }
0xef: {  	_ =	swait.ge [sflag:s21], $0x4000  }
0xf0: {  	[sflag:s21] =	ssyncset.done $0x0  }
0xf1: {  	s19 =	rddreg [dreg:$0x12];
	[sflag:s21] =	ssyncadd.s32 $0xFFFFC000  }
0xf2: {  	[spmem:s19] =	stream.linear.scatter [tilespmem:s24], [sflag:$0x9], $0x4000, $0x38;
	[tilespmem:$0x1DB68] =	vst v63  }
0xf3: {  	_ =	swait.ge [sflag:s21], $0x4000  }
0xf4: {  	[sflag:s21] =	ssyncset.done $0x0  }
0xf5: {  	s20 =	rddreg [dreg:$0x13];
	[sflag:s21] =	ssyncadd.s32 $0xFFFFC000  }
0xf6: {  	[spmem:s20] =	stream.linear.scatter [tilespmem:s24], [sflag:$0x9], $0x4000, $0x38;
	[tilespmem:$0x1DB68] =	vst v63  }
0xf7: {  	_ =	swait.ge [sflag:s21], $0x4000  }
0xf8: {  	[sflag:s21] =	ssyncset.done $0x0  }
0xf9: {  	s14 =	simm.s32 $0xC100;
	s22 =	rddreg [dreg:$0xe];
	[sflag:s21] =	ssyncadd.s32 $0xFFFFC000  }
0xfa: {  	[spmem:s22] =	stream.linear.scatter [tilespmem:s14], [sflag:$0x9], $0x210, $0x38;
	[tilespmem:$0x1DB68] =	vst v63  }
0xfb: {  	_ =	swait.ge [sflag:s21], $0x210  }
0xfc: {  	[sflag:s21] =	ssyncset.done $0x0  }
0xfd: {  	[sflag:s21] =	ssyncadd.s32 $0xFFFFFDF0  }
0xfe: {  	[bflag:$0x0] =	sbarrier.arrive $0xFFFF  }
0xff: {  	[tilespmem:s24], [sflag:$0x1] =	stream.indirect.gather [hbm4b:s7+s26], $0x80, s6, s26, $0xb8;
	[tilespmem:$0x1DB68] =	vst v63  }
0x100: {  	_ = 	snop  }
0x101: {  	[tilespmem:s28], [sflag:$0x3] =	stream.indirect.gather [spmem:s3], $0x1, s6, s26, $0xb8;
	[tilespmem:$0x1DB68] =	vst v63  }
0x102: {  	_ =	swait.ge [sflag:s29], $0x4000  }
0x103: {  	[sflag:s29] =	ssyncset.done $0x0  }
0x104: {  	[sflag:s29] =	ssyncadd.s32 $0xFFFFC000  }
0x105: {  	_ =	swait.ge [sflag:s30], $0x80  }
0x106: {  	[sflag:s30] =	ssyncset.done $0x0  }
0x107: {  	[sflag:s30] =	ssyncadd.s32 $0xFFFFFF80  }
0x108: {  	[spmem:s4] =	stream.indirect.scatter.add.f32 [tilespmem:s24], [sflag:$0x5], $0x80, s23, s26, $0xb8;
	[tilespmem:$0x1DB68] =	vst v63  }
0x109: {  	_ = 	snop  }
0x10a: {  	[spmem:s5] =	stream.indirect.scatter.add.f32 [tilespmem:s28], [sflag:$0x7], $0x1, s23, s26, $0xb8;
	[tilespmem:$0x1DB68] =	vst v63  }
0x10b: {  	_ = 	snop  }
0x10c: {  	[tilespmem:s31], [sflag:$0x2] =	stream.indirect.gather [hbm4b:s7+s26], $0x80, s26, s26, $0xb8;
	[tilespmem:$0x1DB68] =	vst v63  }
0x10d: {  	_ = 	snop  }
0x10e: {  	[tilespmem:s0], [sflag:$0x4] =	stream.indirect.gather [spmem:s3], $0x1, s26, s26, $0xb8;
	[tilespmem:$0x1DB68] =	vst v63  }
0x10f: {  	_ =	swait.ge [sflag:s9], $0x4000  }
0x110: {  	[sflag:s9] =	ssyncset.done $0x0  }
0x111: {  	[sflag:s9] =	ssyncadd.s32 $0xFFFFC000  }
0x112: {  	_ =	swait.ge [sflag:s10], $0x80  }
0x113: {  	[sflag:s10] =	ssyncset.done $0x0  }
0x114: {  	s23 =	simm.s32 $0x2080;
	[sflag:s10] =	ssyncadd.s32 $0xFFFFFF80  }
0x115: {  	[spmem:s4] =	stream.indirect.scatter.add.f32 [tilespmem:s31], [sflag:$0x6], $0x80, s23, s26, $0xb8;
	[tilespmem:$0x1DB68] =	vst v63  }
0x116: {  	_ = 	snop  }
0x117: {  	[spmem:s5] =	stream.indirect.scatter.add.f32 [tilespmem:s0], [sflag:$0x8], $0x1, s23, s26, $0xb8;
	[tilespmem:$0x1DB68] =	vst v63  }
0x118: {  	_ =	swait.ge [sflag:s11], $0x4000  }
0x119: {  	[sflag:s11] =	ssyncset.done $0x0  }
0x11a: {  	[sflag:s11] =	ssyncadd.s32 $0xFFFFC000  }
0x11b: {  	_ =	swait.ge [sflag:s12], $0x80  }
0x11c: {  	[sflag:s12] =	ssyncset.done $0x0  }
0x11d: {  	s25 =	simm.s32 $0x100;
	[sflag:s12] =	ssyncadd.s32 $0xFFFFFF80  }
0x11e: {  	[tilespmem:s24], [sflag:$0x1] =	stream.indirect.gather [hbm4b:s7+s26], $0x80, s25, s26, $0xb8;
	[tilespmem:$0x1DB68] =	vst v63  }
0x11f: {  	s13 =	simm.s32 $0xFFFF8800  }
0x120: {  	[tilespmem:s28], [sflag:$0x3] =	stream.indirect.gather [spmem:s3], $0x1, s25, s26, $0xb8;
	[tilespmem:$0x1DB68] =	vst v63  }
.LBB2_5:
0x121: {  	_ =	swait.ge [sflag:s29], $0x4000  }
0x122: {  	[sflag:s29] =	ssyncset.done $0x0  }
0x123: {  	[sflag:s29] =	ssyncadd.s32 $0xFFFFC000  }
0x124: {  	_ =	swait.ge [sflag:s30], $0x80  }
0x125: {  	s14 =	sshra.s32 s13, $0x2;
	[sflag:s30] =	ssyncset.done $0x0  }
0x126: {  	s20 =	sadd.s32 $0x3F00, s14;
	[sflag:s30] =	ssyncadd.s32 $0xFFFFFF80  }
0x127: {  	[spmem:s4] =	stream.indirect.scatter.add.f32 [tilespmem:s24], [sflag:$0x5], $0x80, s20, s26, $0xb8;
	[tilespmem:$0x1DB68] =	vst v63  }
0x128: {  	_ = 	snop  }
0x129: {  	[spmem:s5] =	stream.indirect.scatter.add.f32 [tilespmem:s28], [sflag:$0x7], $0x1, s20, s26, $0xb8;
	[tilespmem:$0x1DB68] =	vst v63  }
0x12a: {  	_ =	swait.ge [sflag:s16], $0x4000  }
0x12b: {  	[sflag:s16] =	ssyncset.done $0x0  }
0x12c: {  	[sflag:s16] =	ssyncadd.s32 $0xFFFFC000  }
0x12d: {  	_ =	swait.ge [sflag:s17], $0x80  }
0x12e: {  	[sflag:s17] =	ssyncset.done $0x0  }
0x12f: {  	s23 =	sadd.s32 $0x1F80, s14;
	[sflag:s17] =	ssyncadd.s32 $0xFFFFFF80  }
0x130: {  	[tilespmem:s31], [sflag:$0x2] =	stream.indirect.gather [hbm4b:s7+s26], $0x80, s23, s26, $0xb8;
	[tilespmem:$0x1DB68] =	vst v63  }
0x131: {  	_ = 	snop  }
0x132: {  	[tilespmem:s0], [sflag:$0x4] =	stream.indirect.gather [spmem:s3], $0x1, s23, s26, $0xb8;
	[tilespmem:$0x1DB68] =	vst v63  }
0x133: {  	_ =	swait.ge [sflag:s9], $0x4000  }
0x134: {  	[sflag:s9] =	ssyncset.done $0x0  }
0x135: {  	[sflag:s9] =	ssyncadd.s32 $0xFFFFC000  }
0x136: {  	_ =	swait.ge [sflag:s10], $0x80  }
0x137: {  	[sflag:s10] =	ssyncset.done $0x0  }
0x138: {  	s25 =	sadd.s32 $0x3F80, s14;
	[sflag:s10] =	ssyncadd.s32 $0xFFFFFF80  }
0x139: {  	[spmem:s4] =	stream.indirect.scatter.add.f32 [tilespmem:s31], [sflag:$0x6], $0x80, s25, s26, $0xb8;
	[tilespmem:$0x1DB68] =	vst v63  }
0x13a: {  	_ = 	snop  }
0x13b: {  	[spmem:s5] =	stream.indirect.scatter.add.f32 [tilespmem:s0], [sflag:$0x8], $0x1, s25, s26, $0xb8;
	[tilespmem:$0x1DB68] =	vst v63  }
0x13c: {  	p2 =	seq.s32 s13, $0x0;
	_ =	swait.ge [sflag:s11], $0x4000  }
.Ltmp7:
0x13d: {  	[sflag:s11] =	ssyncset.done $0x0;
	(pc) =	sbr.rel @p2 .LBB2_7-.Ltmp7, $4  }
0x13e: {  	[sflag:s11] =	ssyncadd.s32 $0xFFFFC000  }
0x13f: {  	_ =	swait.ge [sflag:s12], $0x80  }
0x140: {  	[sflag:s12] =	ssyncset.done $0x0  }
0x141: {  	[sflag:s12] =	ssyncadd.s32 $0xFFFFFF80  }
.Ltmp8:
0x142: {  	(pc) =	sbr.rel .LBB2_5-.Ltmp8, $4  }
0x143: {  	s14 =	sadd.s32 $0x2000, s14  }
0x144: {  	[tilespmem:s24], [sflag:$0x1] =	stream.indirect.gather [hbm4b:s7+s26], $0x80, s14, s26, $0xb8;
	[tilespmem:$0x1DB68] =	vst v63  }
0x145: {  	s13 =	sadd.s32 $0x400, s13  }
0x146: {  	[tilespmem:s28], [sflag:$0x3] =	stream.indirect.gather [spmem:s3], $0x1, s14, s26, $0xb8;
	[tilespmem:$0x1DB68] =	vst v63  }
.LBB2_16:
0x147: {  	_ =	swait.ge [sflag:s16], $0x4000  }
0x148: {  	[sflag:s16] =	ssyncset.done $0x0  }
0x149: {  	[sflag:s16] =	ssyncadd.s32 $0xFFFFC000  }
0x14a: {  	_ =	swait.ge [sflag:s17], $0x80  }
0x14b: {  	[sflag:s17] =	ssyncset.done $0x0  }
0x14c: {  	[sflag:s17] =	ssyncadd.s32 $0xFFFFFF80  }
0x14d: {  	[bflag:$0x0] =	sbarrier.arrive $0xFFFF  }
0x14e: {  	s20 =	simm.s32 $0xC310;
	s13 =	rddreg [dreg:$0xf]  }
0x14f: {  	[tilespmem:s20], [sflag:$0x9] =	stream.linear.gather [spmem:s13], $0x200, $0x38;
	[tilespmem:$0x1DB68] =	vst v63  }
0x150: {  	_ =	swait.ge [sflag:s21], $0x200  }
0x151: {  	[sflag:s21] =	ssyncset.done $0x0  }
0x152: {  	s23 =	simm.s32 $0x0;
	[sflag:s21] =	ssyncadd.s32 $0xFFFFFE00  }
.LBB2_17:
0x153: {  	s13 =	sshll.u32 s23, $0x4  }
0x154: {  	s25 =	sor.u32 s15, s13  }
0x155: {  	s13 =	sshll.u32 s25, $0x7  }
0x156: {  	s13 =	sand.u32 $0x3FFFFF80, s13  }
0x157: {  	s13 =	sadd.s32 s13, s4  }
0x158: {  	[tilespmem:s24], [sflag:$0x9] =	stream.linear.gather [spmem:s13], $0x800, $0x38;
	[tilespmem:$0x1DB68] =	vst v63  }
0x159: {  	_ =	swait.ge [sflag:s21], $0x800  }
0x15a: {  	[sflag:s21] =	ssyncset.done $0x0  }
0x15b: {  	[sflag:s21] =	ssyncadd.s32 $0xFFFFF800  }
0x15c: {  	s14 =	simm.s32 $0x0;
	s22 =	smov.u32 s20;
	s13 =	simm.s32 $0x200;
	v1 =	vld [tilespmem:s20+$0x0]  }
.LBB2_18:
0x15d: {  	p2 =	sne.s32 s13, $0x1E00;
	_ =	sdelay $0x3  }
0x15e: {  	(v2sf) =	vpush v1, $0x0;
	_ =	sdelay $0xe  }
0x15f: {  	s19 =	spop (v2sf)  }
0x160: {  	s19 =	sadd.f32 $1.000000000e-30, s19;
	_ =	sdelay $0x1  }
0x161: {  	v1 =	vmov s19  }
0x162: {  	s19 =	sshra.s32 s14, $0x2;
	s14 =	smov.u32 s13;
	(erf) = vrcp.f32 v1  }
0x163: {  	v1 =	vld [tilespmem:s19+$0x4000]  }
0x164: {  	v2 =	vld [tilespmem:s19+$0x4010]  }
0x165: {  	v3 =	vld [tilespmem:s19+$0x4020]  }
0x166: {  	v4 =	vld [tilespmem:s19+$0x4030]  }
0x167: {  	v5 =	vld [tilespmem:s19+$0x4040]  }
0x168: {  	v6 =	vld [tilespmem:s19+$0x4050]  }
0x169: {  	v7 =	vld [tilespmem:s19+$0x4060]  }
0x16a: {  	v8 =	vld [tilespmem:s19+$0x4070]  }
0x16b: {  	v9 =	vpop (erf)  }
0x16c: {  	v1 =	vmul.f32 v1, v9;
	v2 =	vmul.f32 v2, v9  }
0x16d: {  	v3 =	vmul.f32 v3, v9;
	v4 =	vmul.f32 v4, v9  }
0x16e: {  	[tilespmem:s19+$0xC520] =	vst v1;
	v1 =	vmul.f32 v5, v9;
	v5 =	vmul.f32 v6, v9  }
0x16f: {  	[tilespmem:s19+$0xC530] =	vst v2;
	v2 =	vmul.f32 v7, v9;
	v6 =	vmul.f32 v8, v9  }
0x170: {  	[tilespmem:s19+$0xC540] =	vst v3  }
0x171: {  	[tilespmem:s19+$0xC550] =	vst v4  }
.Ltmp9:
0x172: {  	[tilespmem:s19+$0xC560] =	vst v1;
	(pc) =	sbr.rel @p2 .LBB2_18-.Ltmp9, $4  }
0x173: {  	[tilespmem:s19+$0xC570] =	vst v5  }
0x174: {  	[tilespmem:s19+$0xC580] =	vst v2  }
0x175: {  	s22 =	sadd.s32 $0x1, s22;
	[tilespmem:s19+$0xC590] =	vst v6  }
0x176: {  	s13 =	sadd.s32 $0x200, s13;
	v1 =	vld [tilespmem:s22+$0x0]  }
0x177: {  	_ =	sdelay $0x3  }
0x178: {  	(v2sf) =	vpush v1, $0x0;
	_ =	sdelay $0xe  }
0x179: {  	s13 =	spop (v2sf)  }
0x17a: {  	s13 =	sadd.f32 $1.000000000e-30, s13;
	_ =	sdelay $0x1  }
0x17b: {  	v1 =	vmov s13  }
0x17c: {  	(erf) = vrcp.f32 v1;
	_ =	sdelay $0x3  }
0x17d: {  	s19 =	sshra.s32 s14, $0x2  }
0x17e: {  	v1 =	vld [tilespmem:s19+$0x4000]  }
0x17f: {  	v2 =	vld [tilespmem:s19+$0x4010]  }
0x180: {  	v3 =	vld [tilespmem:s19+$0x4020]  }
0x181: {  	v4 =	vld [tilespmem:s19+$0x4030]  }
0x182: {  	v5 =	vld [tilespmem:s19+$0x4040];
	v6 =	vpop (erf)  }
0x183: {  	v7 =	vld [tilespmem:s19+$0x4050];
	v1 =	vmul.f32 v1, v6  }
0x184: {  	v8 =	vld [tilespmem:s19+$0x4060];
	v2 =	vmul.f32 v2, v6  }
0x185: {  	v9 =	vld [tilespmem:s19+$0x4070];
	v3 =	vmul.f32 v3, v6;
	[tilespmem:s19+$0xC520] =	vst v1  }
0x186: {  	v1 =	vmul.f32 v4, v6;
	[tilespmem:s19+$0xC530] =	vst v2  }
0x187: {  	v2 =	vmul.f32 v5, v6;
	[tilespmem:s19+$0xC540] =	vst v3  }
0x188: {  	v3 =	vmul.f32 v7, v6;
	[tilespmem:s19+$0xC550] =	vst v1  }
0x189: {  	v1 =	vmul.f32 v8, v6;
	[tilespmem:s19+$0xC560] =	vst v2  }
0x18a: {  	v2 =	vmul.f32 v9, v6;
	[tilespmem:s19+$0xC570] =	vst v3  }
0x18b: {  	s22 =	sshll.u32 s25, $0x4;
	s23 =	sadd.s32 $0x1, s23;
	[tilespmem:s19+$0xC580] =	vst v1  }
0x18c: {  	s25 =	sadd.s32 s2, s22;
	p2 =	sne.s32 s23, $0x20;
	[tilespmem:s19+$0xC590] =	vst v2  }
0x18d: {  	[hbm4b:s25+s6] =	stream.linear.scatter [tilespmem:s18], [sflag:$0x9], $0x800, $0x38;
	[tilespmem:$0x1DB68] =	vst v63  }
.Ltmp10:
0x18e: {  	_ = 	snop;
	(pc) =	sbr.rel @p2 .LBB2_17-.Ltmp10, $4  }
.Ltmp11:
0x18f: {  	_ = 	snop;
	(pc) =	sbr.rel @!p2 .LBB2_20-.Ltmp11, $4  }
0x190: {  	_ =	swait.ge [sflag:s21], $0x800  }
0x191: {  	[sflag:s21] =	ssyncset.done $0x0  }
0x192: {  	s20 =	sadd.s32 $0x10, s20;
	[sflag:s21] =	ssyncadd.s32 $0xFFFFF800  }
0x193: {  	_ = 	snop  }
.LBB2_7:
0x194: {  	_ =	swait.ge [sflag:s16], $0x4000  }
0x195: {  	[sflag:s16] =	ssyncset.done $0x0  }
0x196: {  	[sflag:s16] =	ssyncadd.s32 $0xFFFFC000  }
0x197: {  	_ =	swait.ge [sflag:s17], $0x80  }
0x198: {  	[sflag:s17] =	ssyncset.done $0x0  }
0x199: {  	[sflag:s17] =	ssyncadd.s32 $0xFFFFFF80  }
0x19a: {  	[bflag:$0x0] =	sbarrier.arrive $0xFFFF  }
0x19b: {  	s22 =	simm.s32 $0xC310;
	s13 =	rddreg [dreg:$0xf]  }
0x19c: {  	[tilespmem:s22], [sflag:$0x9] =	stream.linear.gather [spmem:s13], $0x200, $0x38;
	[tilespmem:$0x1DB68] =	vst v63  }
0x19d: {  	_ =	swait.ge [sflag:s21], $0x200  }
0x19e: {  	[sflag:s21] =	ssyncset.done $0x0  }
0x19f: {  	s23 =	simm.s32 $0x0;
	[sflag:s21] =	ssyncadd.s32 $0xFFFFFE00  }
.LBB2_8:
0x1a0: {  	s13 =	sshll.u32 s23, $0x4  }
0x1a1: {  	s25 =	sor.u32 s15, s13  }
0x1a2: {  	s13 =	sshll.u32 s25, $0x7  }
0x1a3: {  	s13 =	sand.u32 $0x3FFFFF80, s13  }
0x1a4: {  	s13 =	sadd.s32 s13, s4  }
0x1a5: {  	[tilespmem:s24], [sflag:$0x9] =	stream.linear.gather [spmem:s13], $0x800, $0x38;
	[tilespmem:$0x1DB68] =	vst v63  }
0x1a6: {  	_ =	swait.ge [sflag:s21], $0x800  }
0x1a7: {  	[sflag:s21] =	ssyncset.done $0x0  }
0x1a8: {  	[sflag:s21] =	ssyncadd.s32 $0xFFFFF800  }
0x1a9: {  	s14 =	simm.s32 $0x0;
	s20 =	smov.u32 s22;
	s13 =	simm.s32 $0x200;
	v1 =	vld [tilespmem:s22+$0x0]  }
.LBB2_9:
0x1aa: {  	p2 =	sne.s32 s13, $0x1E00;
	_ =	sdelay $0x3  }
0x1ab: {  	(v2sf) =	vpush v1, $0x0;
	_ =	sdelay $0xe  }
0x1ac: {  	s19 =	spop (v2sf)  }
0x1ad: {  	s19 =	sadd.f32 $1.000000000e-30, s19;
	_ =	sdelay $0x1  }
0x1ae: {  	v1 =	vmov s19  }
0x1af: {  	s19 =	sshra.s32 s14, $0x2;
	s14 =	smov.u32 s13;
	(erf) = vrcp.f32 v1  }
0x1b0: {  	v1 =	vld [tilespmem:s19+$0x4000]  }
0x1b1: {  	v2 =	vld [tilespmem:s19+$0x4010]  }
0x1b2: {  	v3 =	vld [tilespmem:s19+$0x4020]  }
0x1b3: {  	v4 =	vld [tilespmem:s19+$0x4030]  }
0x1b4: {  	v5 =	vld [tilespmem:s19+$0x4040]  }
0x1b5: {  	v6 =	vld [tilespmem:s19+$0x4050]  }
0x1b6: {  	v7 =	vld [tilespmem:s19+$0x4060]  }
0x1b7: {  	v8 =	vld [tilespmem:s19+$0x4070]  }
0x1b8: {  	v9 =	vpop (erf)  }
0x1b9: {  	v1 =	vmul.f32 v1, v9;
	v2 =	vmul.f32 v2, v9  }
0x1ba: {  	v3 =	vmul.f32 v3, v9;
	v4 =	vmul.f32 v4, v9  }
0x1bb: {  	[tilespmem:s19+$0xC520] =	vst v1;
	v1 =	vmul.f32 v5, v9;
	v5 =	vmul.f32 v6, v9  }
0x1bc: {  	[tilespmem:s19+$0xC530] =	vst v2;
	v2 =	vmul.f32 v7, v9;
	v6 =	vmul.f32 v8, v9  }
0x1bd: {  	[tilespmem:s19+$0xC540] =	vst v3  }
0x1be: {  	[tilespmem:s19+$0xC550] =	vst v4  }
.Ltmp12:
0x1bf: {  	[tilespmem:s19+$0xC560] =	vst v1;
	(pc) =	sbr.rel @p2 .LBB2_9-.Ltmp12, $4  }
0x1c0: {  	[tilespmem:s19+$0xC570] =	vst v5  }
0x1c1: {  	[tilespmem:s19+$0xC580] =	vst v2  }
0x1c2: {  	s20 =	sadd.s32 $0x1, s20;
	[tilespmem:s19+$0xC590] =	vst v6  }
0x1c3: {  	s13 =	sadd.s32 $0x200, s13;
	v1 =	vld [tilespmem:s20+$0x0]  }
0x1c4: {  	_ =	sdelay $0x3  }
0x1c5: {  	(v2sf) =	vpush v1, $0x0;
	_ =	sdelay $0xe  }
0x1c6: {  	s13 =	spop (v2sf)  }
0x1c7: {  	s13 =	sadd.f32 $1.000000000e-30, s13;
	_ =	sdelay $0x1  }
0x1c8: {  	v1 =	vmov s13  }
0x1c9: {  	(erf) = vrcp.f32 v1;
	_ =	sdelay $0x3  }
0x1ca: {  	s19 =	sshra.s32 s14, $0x2  }
0x1cb: {  	v1 =	vld [tilespmem:s19+$0x4000]  }
0x1cc: {  	v2 =	vld [tilespmem:s19+$0x4010]  }
0x1cd: {  	v3 =	vld [tilespmem:s19+$0x4020]  }
0x1ce: {  	v4 =	vld [tilespmem:s19+$0x4030]  }
0x1cf: {  	v5 =	vld [tilespmem:s19+$0x4040];
	v6 =	vpop (erf)  }
0x1d0: {  	v7 =	vld [tilespmem:s19+$0x4050];
	v1 =	vmul.f32 v1, v6  }
0x1d1: {  	v8 =	vld [tilespmem:s19+$0x4060];
	v2 =	vmul.f32 v2, v6  }
0x1d2: {  	v9 =	vld [tilespmem:s19+$0x4070];
	v3 =	vmul.f32 v3, v6;
	[tilespmem:s19+$0xC520] =	vst v1  }
0x1d3: {  	v1 =	vmul.f32 v4, v6;
	[tilespmem:s19+$0xC530] =	vst v2  }
0x1d4: {  	v2 =	vmul.f32 v5, v6;
	[tilespmem:s19+$0xC540] =	vst v3  }
0x1d5: {  	v3 =	vmul.f32 v7, v6;
	[tilespmem:s19+$0xC550] =	vst v1  }
0x1d6: {  	v1 =	vmul.f32 v8, v6;
	[tilespmem:s19+$0xC560] =	vst v2  }
0x1d7: {  	v2 =	vmul.f32 v9, v6;
	[tilespmem:s19+$0xC570] =	vst v3  }
0x1d8: {  	s20 =	sshll.u32 s25, $0x4;
	s23 =	sadd.s32 $0x1, s23;
	[tilespmem:s19+$0xC580] =	vst v1  }
0x1d9: {  	s25 =	sadd.s32 s1, s20;
	p2 =	seq.s32 s23, $0x20;
	[tilespmem:s19+$0xC590] =	vst v2  }
0x1da: {  	[hbm4b:s25+s6] =	stream.linear.scatter [tilespmem:s18], [sflag:$0x9], $0x800, $0x38;
	[tilespmem:$0x1DB68] =	vst v63  }
.Ltmp13:
0x1db: {  	_ = 	snop;
	(pc) =	sbr.rel @!p2 .LBB2_8-.Ltmp13, $4  }
.Ltmp14:
0x1dc: {  	_ = 	snop;
	(pc) =	sbr.rel @p2 .LBB2_20-.Ltmp14, $4  }
0x1dd: {  	_ =	swait.ge [sflag:s21], $0x800  }
0x1de: {  	[sflag:s21] =	ssyncset.done $0x0  }
0x1df: {  	s22 =	sadd.s32 $0x10, s22;
	[sflag:s21] =	ssyncadd.s32 $0xFFFFF800  }
0x1e0: {  	_ = 	snop  }
.LBB2_21:
0x1e1: {  	_ =	sfence.sel $0x180000  }
0x1e2: {  	[bflag:$0x0] =	sbarrier.arrive $0xFFFF  }
0x1e3: {  	_ =	strace $0x90000047  }
0x1e4: {  	[bflag:$0x2] =	sbarrier.arrive $0xFFFF  }
0x1e5: {  	s0 =	rddreg [dreg:$0x8]  }
0x1e6: {  	s0 =	sadd.s32 @!p1 $0x100000, s0  }
0x1e7: {  	[sflag:s0] =	ssyncadd.tile.s32 @!p1 $0x1;
	_ =	shalt  }
.Lfunc_end2:
_tile_overlayer_lowered:
.L_overlay_start_2:
0x1e8: {  	(tag) =	ssettag $0x2  }
0x1e9: {  	s0 =	rddreg [dreg:$0x0];
	s2 =	stileid.u32  }
0x1ea: {  	s1 =	rddreg [dreg:$0x1];
	p0 =	sne.s32 s2, $0x0  }
0x1eb: {  	s3 =	rddreg [dreg:$0x2];
	[bflag:$0x3] =	sbarrier.arrive $0xFFFF;
	s2 =	simm.s32 @!p0 $0x1C09  }
0x1ec: {  	[timem:s3], [sflag:s2] =	dma.local @!p0 [hbm:s0], s1  }
0x1ed: {  	s0 =	simm.s32 @!p0 $0x9  }
0x1ee: {  	_ =	swait.ge @!p0 [sflag:s0], s1  }
0x1ef: {  	s1 =	ssub.s32 @!p0 $0x0, s1;
	[sflag:s0] =	ssyncset.done @!p0 $0x0  }
0x1f0: {  	[sflag:s0] =	ssyncadd.s32 @!p0 s1  }
0x1f1: {  	[bflag:$0x3] =	sbarrier.arrive $0xFFFF  }
0x1f2: {  	_ =	shalt  }

</sc_bundles>
